<compile_context>
chip_gen: v7x
topology: tpu7x:2x2x1
jax: 0.10.2.dev20260603
libtpu: 0.0.44.dev20260713+nightly
codegen_flags: <defaults>
</compile_context>

<pallas_src>
import functools

import jax
import jax.numpy as jnp
from jax import lax
from jax.experimental import pallas as pl
from jax.experimental.pallas import tpu as pltpu
from jax.experimental.pallas import tpu_sc as plsc

N_CLS = 10000
N_CTX = 16
SUF = 60
SEQ = 77
D = 128
B = 1024
NV = 4

NW = 32
PER_TILE = NV * B // NW
NBUF = 6
TILES_PER_V = NW // NV


def _sc_body(cls_ids, pn, cn, sn, pp, cp, sp, pe, ce, se, ps, cs, ss,
             out, idx_v, sibuf, gbuf, gsem, wsem):
  cid = lax.axis_index("c")
  sid = lax.axis_index("s")
  wid = sid * 2 + cid
  v = wid // TILES_PER_V
  b0 = (wid % TILES_PER_V) * PER_TILE
  i0 = wid * PER_TILE

  pltpu.sync_copy(cls_ids.at[pl.ds(b0, PER_TILE)], idx_v)

  def run(pref, ctxt, suft):
    def compute_rows(s, t):
      in_ctx = jnp.logical_and(s >= 1, s < 1 + N_CTX)
      mul = jnp.where(in_ctx, jnp.int32(N_CTX), jnp.int32(1))
      off = jnp.where(
          s == 0, jnp.int32(0),
          jnp.where(in_ctx, s - 1, (s - (1 + N_CTX)) * N_CLS))
      for k in range(PER_TILE // 16):
        ivec = idx_v[pl.ds(k * 16, 16)]
        sibuf[t, pl.ds(k * 16, 16)] = ivec * mul + off

    def start_gather(s, t):
      idx = sibuf.at[t]

      @pl.when(s == 0)
      def _():
        pltpu.async_copy(pref.at[idx], gbuf.at[t], gsem.at[t])

      @pl.when(jnp.logical_and(s >= 1, s < 1 + N_CTX))
      def _():
        pltpu.async_copy(ctxt.at[idx], gbuf.at[t], gsem.at[t])

      @pl.when(s >= 1 + N_CTX)
      def _():
        pltpu.async_copy(suft.at[idx], gbuf.at[t], gsem.at[t])

    WLAG = NBUF // 2

    def loop_body(s, carry):
      @pl.when(jnp.logical_and(s >= NBUF, s - NBUF < SEQ))
      def _():
        t = lax.rem(s, NBUF)
        pltpu.make_async_copy(
            gbuf.at[t], out.at[s - NBUF, pl.ds(i0, PER_TILE), :],
            wsem.at[t]).wait()

      @pl.when(jnp.logical_and(s >= WLAG, s - WLAG < SEQ))
      def _():
        t = lax.rem(s - WLAG, NBUF)
        pltpu.make_async_copy(
            pref.at[pl.ds(0, PER_TILE)], gbuf.at[t], gsem.at[t]).wait()
        pltpu.async_copy(
            gbuf.at[t], out.at[s - WLAG, pl.ds(i0, PER_TILE), :], wsem.at[t])

      @pl.when(s < SEQ)
      def _():
        t = lax.rem(s, NBUF)
        compute_rows(s, t)
        start_gather(s, t)

      return carry

    lax.fori_loop(0, SEQ + NBUF, loop_body, 0)

  @pl.when(v == 0)
  def _():
    run(pn, cn, sn)

  @pl.when(v == 1)
  def _():
    run(pp, cp, sp)

  @pl.when(v == 2)
  def _():
    run(pe, ce, se)

  @pl.when(v == 3)
  def _():
    run(ps, cs, ss)


_gather_call = functools.partial(
    pl.kernel,
    mesh=plsc.VectorSubcoreMesh(core_axis_name="c", subcore_axis_name="s"),
    out_type=jax.ShapeDtypeStruct((SEQ, NV * B, D), jnp.float32),
    scratch_types=[
        pltpu.VMEM((PER_TILE,), jnp.int32),
        pltpu.VMEM((NBUF, PER_TILE), jnp.int32),
        pltpu.VMEM((NBUF, PER_TILE, D), jnp.float32),
        pltpu.SemaphoreType.DMA((NBUF,)),
        pltpu.SemaphoreType.DMA((NBUF,)),
    ],
    compiler_params=pltpu.CompilerParams(needs_layout_passes=False),
)(_sc_body)


@jax.jit
def kernel(cls_id, ctx_pos, ctx_neg, ctx_evi, ctx_sub,
           prefix_pos, suffix_pos, prefix_neg, suffix_neg,
           prefix_evi, suffix_evi, prefix_sub, suffix_sub):
  cls32 = cls_id.astype(jnp.int32)

  def pre2d(p):
    return p.reshape(N_CLS, D)

  def ctx2d(c):
    return c.reshape(N_CLS * N_CTX, D)

  def suf2d(s):
    return jnp.transpose(s, (1, 0, 2)).reshape(SUF * N_CLS, D)

  out = _gather_call(
      cls32,
      pre2d(prefix_neg), ctx2d(ctx_neg), suf2d(suffix_neg),
      pre2d(prefix_pos), ctx2d(ctx_pos), suf2d(suffix_pos),
      pre2d(prefix_evi), ctx2d(ctx_evi), suf2d(suffix_evi),
      pre2d(prefix_sub), ctx2d(ctx_sub), suf2d(suffix_sub),
  )
  return jnp.transpose(out, (1, 0, 2))

# --- scband reference (transcript-rebuilt; emitter-appended) ---
"""Pipeline reference for scband-dual-coop-71244917506100 (READ-ONLY COPY).

The authoritative reference and input builder live on the scoring server;
editing this copy changes nothing except your own understanding.
"""

import jax, jax.numpy as jnp
import numpy as np

N_CLS = 10000
CTX_DIM = 128
N_CTX = 16
SEQ = 77
SUF = SEQ - 1 - N_CTX  # 60
B = 1024


def setup_inputs(seed: int = 0) -> dict:
    key = jax.random.key(seed)
    ks = jax.random.split(key, 13)
    cls_id = jax.random.randint(ks[0], (B,), 0, N_CLS)

    def ctx(k):
        return jax.random.normal(k, (N_CLS, N_CTX, CTX_DIM), dtype=jnp.float32) * 0.02

    def pre(k):
        return jax.random.normal(k, (N_CLS, 1, CTX_DIM), dtype=jnp.float32) * 0.02

    def suf(k):
        return jax.random.normal(k, (N_CLS, SUF, CTX_DIM), dtype=jnp.float32) * 0.02

    return {
        'cls_id': cls_id,
        'ctx_pos': ctx(ks[1]), 'ctx_neg': ctx(ks[2]), 'ctx_evi': ctx(ks[3]), 'ctx_sub': ctx(ks[4]),
        'prefix_pos': pre(ks[5]), 'suffix_pos': suf(ks[6]),
        'prefix_neg': pre(ks[7]), 'suffix_neg': suf(ks[8]),
        'prefix_evi': pre(ks[9]), 'suffix_evi': suf(ks[10]),
        'prefix_sub': pre(ks[11]), 'suffix_sub': suf(ks[12]),
    }


def _assemble(prefix, ctx, suffix, cls_id):
    # class-specific gather (CSC: ctx.dim()==3 -> ctx[cls_id]), then
    # prompts = cat([prefix, ctx, suffix], dim=1) as in MLCPromptLearner
    p = jnp.take(prefix, cls_id, axis=0)
    c = jnp.take(ctx, cls_id, axis=0)
    s = jnp.take(suffix, cls_id, axis=0)
    return jnp.concatenate([p, c, s], axis=1)


def reference(cls_id, ctx_pos, ctx_neg, ctx_evi, ctx_sub,
              prefix_pos, suffix_pos, prefix_neg, suffix_neg,
              prefix_evi, suffix_evi, prefix_sub, suffix_sub):
    prompts_neg = _assemble(prefix_neg, ctx_neg, suffix_neg, cls_id)
    prompts_pos = _assemble(prefix_pos, ctx_pos, suffix_pos, cls_id)
    prompts_evi = _assemble(prefix_evi, ctx_evi, suffix_evi, cls_id)
    prompts_sub = _assemble(prefix_sub, ctx_sub, suffix_sub, cls_id)
    # order matches tokenized_prompts = cat([neg, pos, evi, sub], dim=0)
    prompts = jnp.concatenate([prompts_neg, prompts_pos, prompts_evi, prompts_sub], axis=0)
    return prompts

if __name__ == "__main__":
    import jax
    _d = setup_inputs()
    print(jax.jit(kernel)(*tuple(_d.values())))

</pallas_src>

<mosaic_0001>
#map = affine_map<(d0, d1) -> (0)>
#map1 = affine_map<(d0, d1) -> (0, 0)>
#map2 = affine_map<(d0, d1) -> (0, 0, 0)>
module attributes {stable_mosaic.version = 14 : i64} {
  func.func @_sc_body(%arg0: i32, %arg1: i32, %arg2: memref<1024xi32, #tpu.memory_space<hbm>>, %arg3: memref<10000x128xf32, #tpu.memory_space<hbm>>, %arg4: memref<160000x128xf32, #tpu.memory_space<hbm>>, %arg5: memref<600000x128xf32, #tpu.memory_space<hbm>>, %arg6: memref<10000x128xf32, #tpu.memory_space<hbm>>, %arg7: memref<160000x128xf32, #tpu.memory_space<hbm>>, %arg8: memref<600000x128xf32, #tpu.memory_space<hbm>>, %arg9: memref<10000x128xf32, #tpu.memory_space<hbm>>, %arg10: memref<160000x128xf32, #tpu.memory_space<hbm>>, %arg11: memref<600000x128xf32, #tpu.memory_space<hbm>>, %arg12: memref<10000x128xf32, #tpu.memory_space<hbm>>, %arg13: memref<160000x128xf32, #tpu.memory_space<hbm>>, %arg14: memref<600000x128xf32, #tpu.memory_space<hbm>>, %arg15: memref<77x4096x128xf32, #tpu.memory_space<hbm>>, %arg16: memref<128xi32, #tpu.memory_space<vmem>>, %arg17: memref<6x128xi32, #tpu.memory_space<vmem>>, %arg18: memref<6x128x128xf32, #tpu.memory_space<vmem>>, %arg19: memref<6x!tpu.dma_semaphore, #tpu.memory_space<semaphore_mem>>, %arg20: memref<6x!tpu.dma_semaphore, #tpu.memory_space<semaphore_mem>>) attributes {dimension_semantics = [#tpu.dimension_semantics<core_parallel>, #tpu.dimension_semantics<subcore_parallel>], iteration_bounds = array<i64: 2, 16>, scalar_prefetch = 0 : i64, scratch_operands = 5 : i64, tpu.core_type = #tpu.core_type<sc_vector_subcore>, window_params = [{transform_indices = #map}, {transform_indices = #map1}, {transform_indices = #map1}, {transform_indices = #map1}, {transform_indices = #map1}, {transform_indices = #map1}, {transform_indices = #map1}, {transform_indices = #map1}, {transform_indices = #map1}, {transform_indices = #map1}, {transform_indices = #map1}, {transform_indices = #map1}, {transform_indices = #map1}, {transform_indices = #map2}]} {
    %mul3A = arith.constant 2 : i32
    %mul3A_0 = arith.muli %arg1, %mul3A : i32
    %add3A = arith.addi %mul3A_0, %arg0 : i32
    %jit3A = arith.constant 8 : i32
    %div3A = arith.divsi %add3A, %jit3A : i32
    %sign3A = arith.constant 0 : i32
    %sign3A_1 = arith.cmpi sgt, %add3A, %sign3A : i32
    %sign3A_2 = arith.extui %sign3A_1 : i1 to i32
    %sign3A_3 = arith.constant 0 : i32
    %sign3A_4 = arith.cmpi slt, %add3A, %sign3A_3 : i32
    %sign3A_5 = arith.extui %sign3A_4 : i1 to i32
    %sign3A_6 = arith.subi %sign3A_2, %sign3A_5 : i32
    %sign3A_7 = arith.constant 0 : i32
    %sign3A_8 = arith.cmpi sgt, %jit3A, %sign3A_7 : i32
    %sign3A_9 = arith.extui %sign3A_8 : i1 to i32
    %sign3A_10 = arith.constant 0 : i32
    %sign3A_11 = arith.cmpi slt, %jit3A, %sign3A_10 : i32
    %sign3A_12 = arith.extui %sign3A_11 : i1 to i32
    %sign3A_13 = arith.subi %sign3A_9, %sign3A_12 : i32
    %ne3A = arith.cmpi ne, %sign3A_6, %sign3A_13 : i32
    %rem3A = arith.remsi %add3A, %jit3A : i32
    %ne3A_14 = arith.constant 0 : i32
    %ne3A_15 = arith.cmpi ne, %rem3A, %ne3A_14 : i32
    %and3A = arith.andi %ne3A, %ne3A_15 : i1
    %sub3A = arith.constant 1 : i32
    %sub3A_16 = arith.subi %div3A, %sub3A : i32
    %select_n3A = arith.select %and3A, %sub3A_16, %div3A : i32
    %jit3A_17 = arith.constant 8 : i32
    %eq3A = arith.constant 0 : i32
    %eq3A_18 = arith.cmpi eq, %jit3A_17, %eq3A : i32
    %jit3A_19 = arith.constant 1 : i32
    %select_n3A_20 = arith.select %eq3A_18, %jit3A_19, %jit3A_17 : i32
    %rem3A_21 = arith.remsi %add3A, %select_n3A_20 : i32
    %ne3A_22 = arith.constant 0 : i32
    %ne3A_23 = arith.cmpi ne, %rem3A_21, %ne3A_22 : i32
    %lt3A = arith.constant 0 : i32
    %lt3A_24 = arith.cmpi slt, %rem3A_21, %lt3A : i32
    %lt3A_25 = arith.constant 0 : i32
    %lt3A_26 = arith.cmpi slt, %select_n3A_20, %lt3A_25 : i32
    %ne3A_27 = arith.xori %lt3A_24, %lt3A_26 : i1
    %and3A_28 = arith.andi %ne3A_27, %ne3A_23 : i1
    %add3A_29 = arith.addi %rem3A_21, %select_n3A_20 : i32
    %select_n3A_30 = arith.select %and3A_28, %add3A_29, %rem3A_21 : i32
    %mul3A_31 = arith.constant 128 : i32
    %mul3A_32 = arith.muli %select_n3A_30, %mul3A_31 : i32
    %mul3A_33 = arith.constant 128 : i32
    %mul3A_34 = arith.muli %add3A, %mul3A_33 : i32
    "tpu.region"() ({
      %run_scoped3A = tpu.sem_alloc : memref<!tpu.dma_semaphore, #tpu.memory_space<semaphore_mem>>
      %dma_start3A = tpu.memref_slice %arg2[%mul3A_32] : memref<1024xi32, #tpu.memory_space<hbm>> -> memref<128xi32, #tpu.memory_space<hbm>>
      %dma_start3A_53 = tpu.memref_slice %arg2[%mul3A_32] : memref<1024xi32, #tpu.memory_space<hbm>> -> memref<128xi32, #tpu.memory_space<hbm>>
      tpu.enqueue_dma source(%dma_start3A_53 : memref<128xi32, #tpu.memory_space<hbm>>) target(%arg16 : memref<128xi32, #tpu.memory_space<vmem>>) target_semaphore(%run_scoped3A : memref<!tpu.dma_semaphore, #tpu.memory_space<semaphore_mem>>)
      %dma_wait3A = tpu.memref_slice %arg2[%mul3A_32] : memref<1024xi32, #tpu.memory_space<hbm>> -> memref<128xi32, #tpu.memory_space<hbm>>
      %dma_wait3A_54 = tpu.memref_slice %arg2[%mul3A_32] : memref<1024xi32, #tpu.memory_space<hbm>> -> memref<128xi32, #tpu.memory_space<hbm>>
      tpu.wait_dma2 semaphore(%run_scoped3A : memref<!tpu.dma_semaphore, #tpu.memory_space<semaphore_mem>>) src(%dma_wait3A_54 : memref<128xi32, #tpu.memory_space<hbm>>) dst(%arg16 : memref<128xi32, #tpu.memory_space<vmem>>)
      tpu.yield
    }) : () -> ()
    %eq3A_35 = arith.constant 0 : i32
    %eq3A_36 = arith.cmpi eq, %select_n3A, %eq3A_35 : i32
    %convert_element_type3A = arith.extui %eq3A_36 : i1 to i32
    %cond3A = arith.constant 0 : i32
    %cond3A_37 = arith.cmpi ne, %convert_element_type3A, %cond3A : i32
    scf.if %cond3A_37 {
      %scan3A = arith.constant 0 : i32
      %scan3A_53 = arith.constant 0 : i32
      %scan3A_54 = arith.constant 83 : i32
      %scan3A_55 = arith.addi %scan3A_53, %scan3A_54 : i32
      %scan3A_56 = arith.constant 1 : i32
      scf.for %scan3A_58 = %scan3A_53 to %scan3A_55 step %scan3A_56  : i32 {
        %ge3A = arith.constant 6 : i32
        %ge3A_59 = arith.cmpi sge, %scan3A_58, %ge3A : i32
        %sub3A_60 = arith.constant 6 : i32
        %sub3A_61 = arith.subi %scan3A_58, %sub3A_60 : i32
        %lt3A_62 = arith.constant 77 : i32
        %lt3A_63 = arith.cmpi slt, %sub3A_61, %lt3A_62 : i32
        %and3A_64 = arith.andi %ge3A_59, %lt3A_63 : i1
        %convert_element_type3A_65 = arith.extui %and3A_64 : i1 to i32
        %cond3A_66 = arith.constant 0 : i32
        %cond3A_67 = arith.cmpi ne, %convert_element_type3A_65, %cond3A_66 : i32
        scf.if %cond3A_67 {
          %rem3A_83 = arith.constant 6 : i32
          %rem3A_84 = arith.remsi %scan3A_58, %rem3A_83 : i32
          %sub3A_85 = arith.constant 6 : i32
          %sub3A_86 = arith.subi %scan3A_58, %sub3A_85 : i32
          %dma_wait3A = arith.constant 0 : i32
          %dma_wait3A_87 = arith.constant 0 : i32
          %dma_wait3A_88 = tpu.memref_slice %arg18[%rem3A_84, %dma_wait3A, %dma_wait3A_87] : memref<6x128x128xf32, #tpu.memory_space<vmem>> -> memref<1x128x128xf32, #tpu.memory_space<vmem>>
          %dma_wait3A_89 = tpu.memref_squeeze %dma_wait3A_88 : memref<1x128x128xf32, #tpu.memory_space<vmem>> -> memref<128x128xf32, #tpu.memory_space<vmem>>
          %dma_wait3A_90 = arith.constant 0 : i32
          %dma_wait3A_91 = tpu.memref_slice %arg15[%sub3A_86, %mul3A_34, %dma_wait3A_90] : memref<77x4096x128xf32, #tpu.memory_space<hbm>> -> memref<1x128x128xf32, #tpu.memory_space<hbm>>
          %dma_wait3A_92 = tpu.memref_squeeze %dma_wait3A_91 : memref<1x128x128xf32, #tpu.memory_space<hbm>> -> memref<128x128xf32, #tpu.memory_space<hbm>>
          %dma_wait3A_93 = tpu.memref_slice %arg20[%rem3A_84] : memref<6x!tpu.dma_semaphore, #tpu.memory_space<semaphore_mem>> -> memref<1x!tpu.dma_semaphore, #tpu.memory_space<semaphore_mem>>
          %dma_wait3A_94 = tpu.memref_squeeze %dma_wait3A_93 : memref<1x!tpu.dma_semaphore, #tpu.memory_space<semaphore_mem>> -> memref<!tpu.dma_semaphore, #tpu.memory_space<semaphore_mem>>
          %dma_wait3A_95 = arith.constant 0 : i32
          %dma_wait3A_96 = tpu.memref_slice %arg15[%sub3A_86, %mul3A_34, %dma_wait3A_95] : memref<77x4096x128xf32, #tpu.memory_space<hbm>> -> memref<1x128x128xf32, #tpu.memory_space<hbm>>
          %dma_wait3A_97 = tpu.memref_squeeze %dma_wait3A_96 : memref<1x128x128xf32, #tpu.memory_space<hbm>> -> memref<128x128xf32, #tpu.memory_space<hbm>>
          %dma_wait3A_98 = arith.constant 0 : i32
          %dma_wait3A_99 = arith.constant 0 : i32
          %dma_wait3A_100 = tpu.memref_slice %arg18[%rem3A_84, %dma_wait3A_98, %dma_wait3A_99] : memref<6x128x128xf32, #tpu.memory_space<vmem>> -> memref<1x128x128xf32, #tpu.memory_space<vmem>>
          %dma_wait3A_101 = tpu.memref_squeeze %dma_wait3A_100 : memref<1x128x128xf32, #tpu.memory_space<vmem>> -> memref<128x128xf32, #tpu.memory_space<vmem>>
          tpu.wait_dma2 semaphore(%dma_wait3A_94 : memref<!tpu.dma_semaphore, #tpu.memory_space<semaphore_mem>>) src(%dma_wait3A_101 : memref<128x128xf32, #tpu.memory_space<vmem>>) dst(%dma_wait3A_97 : memref<128x128xf32, #tpu.memory_space<hbm>>)
        } else {
        }
        %ge3A_68 = arith.constant 3 : i32
        %ge3A_69 = arith.cmpi sge, %scan3A_58, %ge3A_68 : i32
        %sub3A_70 = arith.constant 3 : i32
        %sub3A_71 = arith.subi %scan3A_58, %sub3A_70 : i32
        %lt3A_72 = arith.constant 77 : i32
        %lt3A_73 = arith.cmpi slt, %sub3A_71, %lt3A_72 : i32
        %and3A_74 = arith.andi %ge3A_69, %lt3A_73 : i1
        %convert_element_type3A_75 = arith.extui %and3A_74 : i1 to i32
        %cond3A_76 = arith.constant 0 : i32
        %cond3A_77 = arith.cmpi ne, %convert_element_type3A_75, %cond3A_76 : i32
        scf.if %cond3A_77 {
          %sub3A_83 = arith.constant 3 : i32
          %sub3A_84 = arith.subi %scan3A_58, %sub3A_83 : i32
          %rem3A_85 = arith.constant 6 : i32
          %rem3A_86 = arith.remsi %sub3A_84, %rem3A_85 : i32
          %dma_wait3A = arith.constant 0 : i32
          %dma_wait3A_87 = arith.constant 0 : i32
          %dma_wait3A_88 = tpu.memref_slice %arg18[%rem3A_86, %dma_wait3A, %dma_wait3A_87] : memref<6x128x128xf32, #tpu.memory_space<vmem>> -> memref<1x128x128xf32, #tpu.memory_space<vmem>>
          %dma_wait3A_89 = tpu.memref_squeeze %dma_wait3A_88 : memref<1x128x128xf32, #tpu.memory_space<vmem>> -> memref<128x128xf32, #tpu.memory_space<vmem>>
          %dma_wait3A_90 = arith.constant 0 : i32
          %dma_wait3A_91 = arith.constant 0 : i32
          %dma_wait3A_92 = tpu.memref_slice %arg3[%dma_wait3A_90, %dma_wait3A_91] : memref<10000x128xf32, #tpu.memory_space<hbm>> -> memref<128x128xf32, #tpu.memory_space<hbm>>
          %dma_wait3A_93 = tpu.memref_slice %arg19[%rem3A_86] : memref<6x!tpu.dma_semaphore, #tpu.memory_space<semaphore_mem>> -> memref<1x!tpu.dma_semaphore, #tpu.memory_space<semaphore_mem>>
          %dma_wait3A_94 = tpu.memref_squeeze %dma_wait3A_93 : memref<1x!tpu.dma_semaphore, #tpu.memory_space<semaphore_mem>> -> memref<!tpu.dma_semaphore, #tpu.memory_space<semaphore_mem>>
          %dma_wait3A_95 = arith.constant 0 : i32
          %dma_wait3A_96 = arith.constant 0 : i32
          %dma_wait3A_97 = tpu.memref_slice %arg18[%rem3A_86, %dma_wait3A_95, %dma_wait3A_96] : memref<6x128x128xf32, #tpu.memory_space<vmem>> -> memref<1x128x128xf32, #tpu.memory_space<vmem>>
          %dma_wait3A_98 = tpu.memref_squeeze %dma_wait3A_97 : memref<1x128x128xf32, #tpu.memory_space<vmem>> -> memref<128x128xf32, #tpu.memory_space<vmem>>
          %dma_wait3A_99 = arith.constant 0 : i32
          %dma_wait3A_100 = arith.constant 0 : i32
          %dma_wait3A_101 = tpu.memref_slice %arg3[%dma_wait3A_99, %dma_wait3A_100] : memref<10000x128xf32, #tpu.memory_space<hbm>> -> memref<128x128xf32, #tpu.memory_space<hbm>>
          tpu.wait_dma2 semaphore(%dma_wait3A_94 : memref<!tpu.dma_semaphore, #tpu.memory_space<semaphore_mem>>) src(%dma_wait3A_101 : memref<128x128xf32, #tpu.memory_space<hbm>>) dst(%dma_wait3A_98 : memref<128x128xf32, #tpu.memory_space<vmem>>)
          %sub3A_102 = arith.constant 3 : i32
          %sub3A_103 = arith.subi %scan3A_58, %sub3A_102 : i32
          %dma_start3A = arith.constant 0 : i32
          %dma_start3A_104 = arith.constant 0 : i32
          %dma_start3A_105 = tpu.memref_slice %arg18[%rem3A_86, %dma_start3A, %dma_start3A_104] : memref<6x128x128xf32, #tpu.memory_space<vmem>> -> memref<1x128x128xf32, #tpu.memory_space<vmem>>
          %dma_start3A_106 = tpu.memref_squeeze %dma_start3A_105 : memref<1x128x128xf32, #tpu.memory_space<vmem>> -> memref<128x128xf32, #tpu.memory_space<vmem>>
          %dma_start3A_107 = arith.constant 0 : i32
          %dma_start3A_108 = tpu.memref_slice %arg15[%sub3A_103, %mul3A_34, %dma_start3A_107] : memref<77x4096x128xf32, #tpu.memory_space<hbm>> -> memref<1x128x128xf32, #tpu.memory_space<hbm>>
          %dma_start3A_109 = tpu.memref_squeeze %dma_start3A_108 : memref<1x128x128xf32, #tpu.memory_space<hbm>> -> memref<128x128xf32, #tpu.memory_space<hbm>>
          %dma_start3A_110 = tpu.memref_slice %arg20[%rem3A_86] : memref<6x!tpu.dma_semaphore, #tpu.memory_space<semaphore_mem>> -> memref<1x!tpu.dma_semaphore, #tpu.memory_space<semaphore_mem>>
          %dma_start3A_111 = tpu.memref_squeeze %dma_start3A_110 : memref<1x!tpu.dma_semaphore, #tpu.memory_space<semaphore_mem>> -> memref<!tpu.dma_semaphore, #tpu.memory_space<semaphore_mem>>
          %dma_start3A_112 = arith.constant 0 : i32
          %dma_start3A_113 = tpu.memref_slice %arg15[%sub3A_103, %mul3A_34, %dma_start3A_112] : memref<77x4096x128xf32, #tpu.memory_space<hbm>> -> memref<1x128x128xf32, #tpu.memory_space<hbm>>
          %dma_start3A_114 = tpu.memref_squeeze %dma_start3A_113 : memref<1x128x128xf32, #tpu.memory_space<hbm>> -> memref<128x128xf32, #tpu.memory_space<hbm>>
          %dma_start3A_115 = arith.constant 0 : i32
          %dma_start3A_116 = arith.constant 0 : i32
          %dma_start3A_117 = tpu.memref_slice %arg18[%rem3A_86, %dma_start3A_115, %dma_start3A_116] : memref<6x128x128xf32, #tpu.memory_space<vmem>> -> memref<1x128x128xf32, #tpu.memory_space<vmem>>
          %dma_start3A_118 = tpu.memref_squeeze %dma_start3A_117 : memref<1x128x128xf32, #tpu.memory_space<vmem>> -> memref<128x128xf32, #tpu.memory_space<vmem>>
          tpu.enqueue_dma source(%dma_start3A_118 : memref<128x128xf32, #tpu.memory_space<vmem>>) target(%dma_start3A_114 : memref<128x128xf32, #tpu.memory_space<hbm>>) target_semaphore(%dma_start3A_111 : memref<!tpu.dma_semaphore, #tpu.memory_space<semaphore_mem>>)
        } else {
        }
        %lt3A_78 = arith.constant 77 : i32
        %lt3A_79 = arith.cmpi slt, %scan3A_58, %lt3A_78 : i32
        %convert_element_type3A_80 = arith.extui %lt3A_79 : i1 to i32
        %cond3A_81 = arith.constant 0 : i32
        %cond3A_82 = arith.cmpi ne, %convert_element_type3A_80, %cond3A_81 : i32
        scf.if %cond3A_82 {
          %rem3A_83 = arith.constant 6 : i32
          %rem3A_84 = arith.remsi %scan3A_58, %rem3A_83 : i32
          %ge3A_85 = arith.constant 1 : i32
          %ge3A_86 = arith.cmpi sge, %scan3A_58, %ge3A_85 : i32
          %lt3A_87 = arith.constant 17 : i32
          %lt3A_88 = arith.cmpi slt, %scan3A_58, %lt3A_87 : i32
          %and3A_89 = arith.andi %ge3A_86, %lt3A_88 : i1
          %jit3A_90 = arith.constant 16 : i32
          %jit3A_91 = arith.constant 1 : i32
          %select_n3A_92 = arith.select %and3A_89, %jit3A_90, %jit3A_91 : i32
          %eq3A_93 = arith.constant 0 : i32
          %eq3A_94 = arith.cmpi eq, %scan3A_58, %eq3A_93 : i32
          %sub3A_95 = arith.constant 1 : i32
          %sub3A_96 = arith.subi %scan3A_58, %sub3A_95 : i32
          %sub3A_97 = arith.constant 17 : i32
          %sub3A_98 = arith.subi %scan3A_58, %sub3A_97 : i32
          %mul3A_99 = arith.constant 10000 : i32
          %mul3A_100 = arith.muli %sub3A_98, %mul3A_99 : i32
          %select_n3A_101 = arith.select %and3A_89, %sub3A_96, %mul3A_100 : i32
          %jit3A_102 = arith.constant 0 : i32
          %select_n3A_103 = arith.select %eq3A_94, %jit3A_102, %select_n3A_101 : i32
          %get3A = arith.constant 0 : index
          %get3A_104 = tpu.vector_load %arg16[%get3A] {strides = array<i32>} : memref<128xi32, #tpu.memory_space<vmem>>, vector<16xi32>,
          %mul3A_105 = vector.broadcast %select_n3A_92 : i32 to vector<16xi32>
          %mul3A_106 = arith.muli %get3A_104, %mul3A_105 : vector<16xi32>
          %add3A_107 = vector.broadcast %select_n3A_103 : i32 to vector<16xi32>
          %add3A_108 = arith.addi %mul3A_106, %add3A_107 : vector<16xi32>
          %swap3A = arith.index_cast %rem3A_84 : i32 to index
          %swap3A_109 = arith.constant 0 : index
          %swap3A_110 = tpu.vector_load %arg17[%swap3A, %swap3A_109] {strides = array<i32>} : memref<6x128xi32, #tpu.memory_space<vmem>>, vector<16xi32>,
          tpu.vector_store %arg17[%swap3A, %swap3A_109], %add3A_108 {strides = array<i32>} : memref<6x128xi32, #tpu.memory_space<vmem>>, vector<16xi32>,
          %get3A_111 = arith.constant 16 : index
          %get3A_112 = tpu.vector_load %arg16[%get3A_111] {strides = array<i32>} : memref<128xi32, #tpu.memory_space<vmem>>, vector<16xi32>,
          %mul3A_113 = vector.broadcast %select_n3A_92 : i32 to vector<16xi32>
          %mul3A_114 = arith.muli %get3A_112, %mul3A_113 : vector<16xi32>
          %add3A_115 = vector.broadcast %select_n3A_103 : i32 to vector<16xi32>
          %add3A_116 = arith.addi %mul3A_114, %add3A_115 : vector<16xi32>
          %swap3A_117 = arith.index_cast %rem3A_84 : i32 to index
          %swap3A_118 = arith.constant 16 : index
          %swap3A_119 = tpu.vector_load %arg17[%swap3A_117, %swap3A_118] {strides = array<i32>} : memref<6x128xi32, #tpu.memory_space<vmem>>, vector<16xi32>,
          tpu.vector_store %arg17[%swap3A_117, %swap3A_118], %add3A_116 {strides = array<i32>} : memref<6x128xi32, #tpu.memory_space<vmem>>, vector<16xi32>,
          %get3A_120 = arith.constant 32 : index
          %get3A_121 = tpu.vector_load %arg16[%get3A_120] {strides = array<i32>} : memref<128xi32, #tpu.memory_space<vmem>>, vector<16xi32>,
          %mul3A_122 = vector.broadcast %select_n3A_92 : i32 to vector<16xi32>
          %mul3A_123 = arith.muli %get3A_121, %mul3A_122 : vector<16xi32>
          %add3A_124 = vector.broadcast %select_n3A_103 : i32 to vector<16xi32>
          %add3A_125 = arith.addi %mul3A_123, %add3A_124 : vector<16xi32>
          %swap3A_126 = arith.index_cast %rem3A_84 : i32 to index
          %swap3A_127 = arith.constant 32 : index
          %swap3A_128 = tpu.vector_load %arg17[%swap3A_126, %swap3A_127] {strides = array<i32>} : memref<6x128xi32, #tpu.memory_space<vmem>>, vector<16xi32>,
          tpu.vector_store %arg17[%swap3A_126, %swap3A_127], %add3A_125 {strides = array<i32>} : memref<6x128xi32, #tpu.memory_space<vmem>>, vector<16xi32>,
          %get3A_129 = arith.constant 48 : index
          %get3A_130 = tpu.vector_load %arg16[%get3A_129] {strides = array<i32>} : memref<128xi32, #tpu.memory_space<vmem>>, vector<16xi32>,
          %mul3A_131 = vector.broadcast %select_n3A_92 : i32 to vector<16xi32>
          %mul3A_132 = arith.muli %get3A_130, %mul3A_131 : vector<16xi32>
          %add3A_133 = vector.broadcast %select_n3A_103 : i32 to vector<16xi32>
          %add3A_134 = arith.addi %mul3A_132, %add3A_133 : vector<16xi32>
          %swap3A_135 = arith.index_cast %rem3A_84 : i32 to index
          %swap3A_136 = arith.constant 48 : index
          %swap3A_137 = tpu.vector_load %arg17[%swap3A_135, %swap3A_136] {strides = array<i32>} : memref<6x128xi32, #tpu.memory_space<vmem>>, vector<16xi32>,
          tpu.vector_store %arg17[%swap3A_135, %swap3A_136], %add3A_134 {strides = array<i32>} : memref<6x128xi32, #tpu.memory_space<vmem>>, vector<16xi32>,
          %get3A_138 = arith.constant 64 : index
          %get3A_139 = tpu.vector_load %arg16[%get3A_138] {strides = array<i32>} : memref<128xi32, #tpu.memory_space<vmem>>, vector<16xi32>,
          %mul3A_140 = vector.broadcast %select_n3A_92 : i32 to vector<16xi32>
          %mul3A_141 = arith.muli %get3A_139, %mul3A_140 : vector<16xi32>
          %add3A_142 = vector.broadcast %select_n3A_103 : i32 to vector<16xi32>
          %add3A_143 = arith.addi %mul3A_141, %add3A_142 : vector<16xi32>
          %swap3A_144 = arith.index_cast %rem3A_84 : i32 to index
          %swap3A_145 = arith.constant 64 : index
          %swap3A_146 = tpu.vector_load %arg17[%swap3A_144, %swap3A_145] {strides = array<i32>} : memref<6x128xi32, #tpu.memory_space<vmem>>, vector<16xi32>,
          tpu.vector_store %arg17[%swap3A_144, %swap3A_145], %add3A_143 {strides = array<i32>} : memref<6x128xi32, #tpu.memory_space<vmem>>, vector<16xi32>,
          %get3A_147 = arith.constant 80 : index
          %get3A_148 = tpu.vector_load %arg16[%get3A_147] {strides = array<i32>} : memref<128xi32, #tpu.memory_space<vmem>>, vector<16xi32>,
          %mul3A_149 = vector.broadcast %select_n3A_92 : i32 to vector<16xi32>
          %mul3A_150 = arith.muli %get3A_148, %mul3A_149 : vector<16xi32>
          %add3A_151 = vector.broadcast %select_n3A_103 : i32 to vector<16xi32>
          %add3A_152 = arith.addi %mul3A_150, %add3A_151 : vector<16xi32>
          %swap3A_153 = arith.index_cast %rem3A_84 : i32 to index
          %swap3A_154 = arith.constant 80 : index
          %swap3A_155 = tpu.vector_load %arg17[%swap3A_153, %swap3A_154] {strides = array<i32>} : memref<6x128xi32, #tpu.memory_space<vmem>>, vector<16xi32>,
          tpu.vector_store %arg17[%swap3A_153, %swap3A_154], %add3A_152 {strides = array<i32>} : memref<6x128xi32, #tpu.memory_space<vmem>>, vector<16xi32>,
          %get3A_156 = arith.constant 96 : index
          %get3A_157 = tpu.vector_load %arg16[%get3A_156] {strides = array<i32>} : memref<128xi32, #tpu.memory_space<vmem>>, vector<16xi32>,
          %mul3A_158 = vector.broadcast %select_n3A_92 : i32 to vector<16xi32>
          %mul3A_159 = arith.muli %get3A_157, %mul3A_158 : vector<16xi32>
          %add3A_160 = vector.broadcast %select_n3A_103 : i32 to vector<16xi32>
          %add3A_161 = arith.addi %mul3A_159, %add3A_160 : vector<16xi32>
          %swap3A_162 = arith.index_cast %rem3A_84 : i32 to index
          %swap3A_163 = arith.constant 96 : index
          %swap3A_164 = tpu.vector_load %arg17[%swap3A_162, %swap3A_163] {strides = array<i32>} : memref<6x128xi32, #tpu.memory_space<vmem>>, vector<16xi32>,
          tpu.vector_store %arg17[%swap3A_162, %swap3A_163], %add3A_161 {strides = array<i32>} : memref<6x128xi32, #tpu.memory_space<vmem>>, vector<16xi32>,
          %get3A_165 = arith.constant 112 : index
          %get3A_166 = tpu.vector_load %arg16[%get3A_165] {strides = array<i32>} : memref<128xi32, #tpu.memory_space<vmem>>, vector<16xi32>,
          %mul3A_167 = vector.broadcast %select_n3A_92 : i32 to vector<16xi32>
          %mul3A_168 = arith.muli %get3A_166, %mul3A_167 : vector<16xi32>
          %add3A_169 = vector.broadcast %select_n3A_103 : i32 to vector<16xi32>
          %add3A_170 = arith.addi %mul3A_168, %add3A_169 : vector<16xi32>
          %swap3A_171 = arith.index_cast %rem3A_84 : i32 to index
          %swap3A_172 = arith.constant 112 : index
          %swap3A_173 = tpu.vector_load %arg17[%swap3A_171, %swap3A_172] {strides = array<i32>} : memref<6x128xi32, #tpu.memory_space<vmem>>, vector<16xi32>,
          tpu.vector_store %arg17[%swap3A_171, %swap3A_172], %add3A_170 {strides = array<i32>} : memref<6x128xi32, #tpu.memory_space<vmem>>, vector<16xi32>,
          %eq3A_174 = arith.constant 0 : i32
          %eq3A_175 = arith.cmpi eq, %scan3A_58, %eq3A_174 : i32
          %convert_element_type3A_176 = arith.extui %eq3A_175 : i1 to i32
          %cond3A_177 = arith.constant 0 : i32
          %cond3A_178 = arith.cmpi ne, %convert_element_type3A_176, %cond3A_177 : i32
          scf.if %cond3A_178 {
            %dma_start3A = arith.constant 0 : i32
            %dma_start3A_192 = arith.constant 0 : i32
            %dma_start3A_193 = tpu.memref_slice %arg18[%rem3A_84, %dma_start3A, %dma_start3A_192] : memref<6x128x128xf32, #tpu.memory_space<vmem>> -> memref<1x128x128xf32, #tpu.memory_space<vmem>>
            %dma_start3A_194 = tpu.memref_squeeze %dma_start3A_193 : memref<1x128x128xf32, #tpu.memory_space<vmem>> -> memref<128x128xf32, #tpu.memory_space<vmem>>
            %dma_start3A_195 = arith.constant 0 : i32
            %dma_start3A_196 = tpu.memref_slice %arg17[%rem3A_84, %dma_start3A_195] : memref<6x128xi32, #tpu.memory_space<vmem>> -> memref<1x128xi32, #tpu.memory_space<vmem>>
            %dma_start3A_197 = tpu.memref_squeeze %dma_start3A_196 : memref<1x128xi32, #tpu.memory_space<vmem>> -> memref<128xi32, #tpu.memory_space<vmem>>
            %dma_start3A_198 = arith.constant 0 : i32
            %dma_start3A_199 = arith.constant 0 : i32
            %dma_start3A_200 = tpu.memref_slice %arg3[%dma_start3A_198, %dma_start3A_199] : memref<10000x128xf32, #tpu.memory_space<hbm>> -> memref<10000x128xf32, #tpu.memory_space<hbm>>
            %dma_start3A_201 = tpu.memref_slice %arg19[%rem3A_84] : memref<6x!tpu.dma_semaphore, #tpu.memory_space<semaphore_mem>> -> memref<1x!tpu.dma_semaphore, #tpu.memory_space<semaphore_mem>>
            %dma_start3A_202 = tpu.memref_squeeze %dma_start3A_201 : memref<1x!tpu.dma_semaphore, #tpu.memory_space<semaphore_mem>> -> memref<!tpu.dma_semaphore, #tpu.memory_space<semaphore_mem>>
            tpu.enqueue_indirect_dma source(%dma_start3A_200 : memref<10000x128xf32, #tpu.memory_space<hbm>>) target(%dma_start3A_194 : memref<128x128xf32, #tpu.memory_space<vmem>>) offsets(%dma_start3A_197 : memref<128xi32, #tpu.memory_space<vmem>>) semaphore(%dma_start3A_202 : memref<!tpu.dma_semaphore, #tpu.memory_space<semaphore_mem>>)
          } else {
          }
          %ge3A_179 = arith.constant 1 : i32
          %ge3A_180 = arith.cmpi sge, %scan3A_58, %ge3A_179 : i32
          %lt3A_181 = arith.constant 17 : i32
          %lt3A_182 = arith.cmpi slt, %scan3A_58, %lt3A_181 : i32
          %and3A_183 = arith.andi %ge3A_180, %lt3A_182 : i1
          %convert_element_type3A_184 = arith.extui %and3A_183 : i1 to i32
          %cond3A_185 = arith.constant 0 : i32
          %cond3A_186 = arith.cmpi ne, %convert_element_type3A_184, %cond3A_185 : i32
          scf.if %cond3A_186 {
            %dma_start3A = arith.constant 0 : i32
            %dma_start3A_192 = arith.constant 0 : i32
            %dma_start3A_193 = tpu.memref_slice %arg18[%rem3A_84, %dma_start3A, %dma_start3A_192] : memref<6x128x128xf32, #tpu.memory_space<vmem>> -> memref<1x128x128xf32, #tpu.memory_space<vmem>>
            %dma_start3A_194 = tpu.memref_squeeze %dma_start3A_193 : memref<1x128x128xf32, #tpu.memory_space<vmem>> -> memref<128x128xf32, #tpu.memory_space<vmem>>
            %dma_start3A_195 = arith.constant 0 : i32
            %dma_start3A_196 = tpu.memref_slice %arg17[%rem3A_84, %dma_start3A_195] : memref<6x128xi32, #tpu.memory_space<vmem>> -> memref<1x128xi32, #tpu.memory_space<vmem>>
            %dma_start3A_197 = tpu.memref_squeeze %dma_start3A_196 : memref<1x128xi32, #tpu.memory_space<vmem>> -> memref<128xi32, #tpu.memory_space<vmem>>
            %dma_start3A_198 = arith.constant 0 : i32
            %dma_start3A_199 = arith.constant 0 : i32
            %dma_start3A_200 = tpu.memref_slice %arg4[%dma_start3A_198, %dma_start3A_199] : memref<160000x128xf32, #tpu.memory_space<hbm>> -> memref<160000x128xf32, #tpu.memory_space<hbm>>
            %dma_start3A_201 = tpu.memref_slice %arg19[%rem3A_84] : memref<6x!tpu.dma_semaphore, #tpu.memory_space<semaphore_mem>> -> memref<1x!tpu.dma_semaphore, #tpu.memory_space<semaphore_mem>>
            %dma_start3A_202 = tpu.memref_squeeze %dma_start3A_201 : memref<1x!tpu.dma_semaphore, #tpu.memory_space<semaphore_mem>> -> memref<!tpu.dma_semaphore, #tpu.memory_space<semaphore_mem>>
            tpu.enqueue_indirect_dma source(%dma_start3A_200 : memref<160000x128xf32, #tpu.memory_space<hbm>>) target(%dma_start3A_194 : memref<128x128xf32, #tpu.memory_space<vmem>>) offsets(%dma_start3A_197 : memref<128xi32, #tpu.memory_space<vmem>>) semaphore(%dma_start3A_202 : memref<!tpu.dma_semaphore, #tpu.memory_space<semaphore_mem>>)
          } else {
          }
          %ge3A_187 = arith.constant 17 : i32
          %ge3A_188 = arith.cmpi sge, %scan3A_58, %ge3A_187 : i32
          %convert_element_type3A_189 = arith.extui %ge3A_188 : i1 to i32
          %cond3A_190 = arith.constant 0 : i32
          %cond3A_191 = arith.cmpi ne, %convert_element_type3A_189, %cond3A_190 : i32
          scf.if %cond3A_191 {
            %dma_start3A = arith.constant 0 : i32
            %dma_start3A_192 = arith.constant 0 : i32
            %dma_start3A_193 = tpu.memref_slice %arg18[%rem3A_84, %dma_start3A, %dma_start3A_192] : memref<6x128x128xf32, #tpu.memory_space<vmem>> -> memref<1x128x128xf32, #tpu.memory_space<vmem>>
            %dma_start3A_194 = tpu.memref_squeeze %dma_start3A_193 : memref<1x128x128xf32, #tpu.memory_space<vmem>> -> memref<128x128xf32, #tpu.memory_space<vmem>>
            %dma_start3A_195 = arith.constant 0 : i32
            %dma_start3A_196 = tpu.memref_slice %arg17[%rem3A_84, %dma_start3A_195] : memref<6x128xi32, #tpu.memory_space<vmem>> -> memref<1x128xi32, #tpu.memory_space<vmem>>
            %dma_start3A_197 = tpu.memref_squeeze %dma_start3A_196 : memref<1x128xi32, #tpu.memory_space<vmem>> -> memref<128xi32, #tpu.memory_space<vmem>>
            %dma_start3A_198 = arith.constant 0 : i32
            %dma_start3A_199 = arith.constant 0 : i32
            %dma_start3A_200 = tpu.memref_slice %arg5[%dma_start3A_198, %dma_start3A_199] : memref<600000x128xf32, #tpu.memory_space<hbm>> -> memref<600000x128xf32, #tpu.memory_space<hbm>>
            %dma_start3A_201 = tpu.memref_slice %arg19[%rem3A_84] : memref<6x!tpu.dma_semaphore, #tpu.memory_space<semaphore_mem>> -> memref<1x!tpu.dma_semaphore, #tpu.memory_space<semaphore_mem>>
            %dma_start3A_202 = tpu.memref_squeeze %dma_start3A_201 : memref<1x!tpu.dma_semaphore, #tpu.memory_space<semaphore_mem>> -> memref<!tpu.dma_semaphore, #tpu.memory_space<semaphore_mem>>
            tpu.enqueue_indirect_dma source(%dma_start3A_200 : memref<600000x128xf32, #tpu.memory_space<hbm>>) target(%dma_start3A_194 : memref<128x128xf32, #tpu.memory_space<vmem>>) offsets(%dma_start3A_197 : memref<128xi32, #tpu.memory_space<vmem>>) semaphore(%dma_start3A_202 : memref<!tpu.dma_semaphore, #tpu.memory_space<semaphore_mem>>)
          } else {
          }
        } else {
        }
      }
      %scan3A_57 = arith.constant 83 : i32
    } else {
    }
    %eq3A_38 = arith.constant 1 : i32
    %eq3A_39 = arith.cmpi eq, %select_n3A, %eq3A_38 : i32
    %convert_element_type3A_40 = arith.extui %eq3A_39 : i1 to i32
    %cond3A_41 = arith.constant 0 : i32
    %cond3A_42 = arith.cmpi ne, %convert_element_type3A_40, %cond3A_41 : i32
    scf.if %cond3A_42 {
      %scan3A = arith.constant 0 : i32
      %scan3A_53 = arith.constant 0 : i32
      %scan3A_54 = arith.constant 83 : i32
      %scan3A_55 = arith.addi %scan3A_53, %scan3A_54 : i32
      %scan3A_56 = arith.constant 1 : i32
      scf.for %scan3A_58 = %scan3A_53 to %scan3A_55 step %scan3A_56  : i32 {
        %ge3A = arith.constant 6 : i32
        %ge3A_59 = arith.cmpi sge, %scan3A_58, %ge3A : i32
        %sub3A_60 = arith.constant 6 : i32
        %sub3A_61 = arith.subi %scan3A_58, %sub3A_60 : i32
        %lt3A_62 = arith.constant 77 : i32
        %lt3A_63 = arith.cmpi slt, %sub3A_61, %lt3A_62 : i32
        %and3A_64 = arith.andi %ge3A_59, %lt3A_63 : i1
        %convert_element_type3A_65 = arith.extui %and3A_64 : i1 to i32
        %cond3A_66 = arith.constant 0 : i32
        %cond3A_67 = arith.cmpi ne, %convert_element_type3A_65, %cond3A_66 : i32
        scf.if %cond3A_67 {
          %rem3A_83 = arith.constant 6 : i32
          %rem3A_84 = arith.remsi %scan3A_58, %rem3A_83 : i32
          %sub3A_85 = arith.constant 6 : i32
          %sub3A_86 = arith.subi %scan3A_58, %sub3A_85 : i32
          %dma_wait3A = arith.constant 0 : i32
          %dma_wait3A_87 = arith.constant 0 : i32
          %dma_wait3A_88 = tpu.memref_slice %arg18[%rem3A_84, %dma_wait3A, %dma_wait3A_87] : memref<6x128x128xf32, #tpu.memory_space<vmem>> -> memref<1x128x128xf32, #tpu.memory_space<vmem>>
          %dma_wait3A_89 = tpu.memref_squeeze %dma_wait3A_88 : memref<1x128x128xf32, #tpu.memory_space<vmem>> -> memref<128x128xf32, #tpu.memory_space<vmem>>
          %dma_wait3A_90 = arith.constant 0 : i32
          %dma_wait3A_91 = tpu.memref_slice %arg15[%sub3A_86, %mul3A_34, %dma_wait3A_90] : memref<77x4096x128xf32, #tpu.memory_space<hbm>> -> memref<1x128x128xf32, #tpu.memory_space<hbm>>
          %dma_wait3A_92 = tpu.memref_squeeze %dma_wait3A_91 : memref<1x128x128xf32, #tpu.memory_space<hbm>> -> memref<128x128xf32, #tpu.memory_space<hbm>>
          %dma_wait3A_93 = tpu.memref_slice %arg20[%rem3A_84] : memref<6x!tpu.dma_semaphore, #tpu.memory_space<semaphore_mem>> -> memref<1x!tpu.dma_semaphore, #tpu.memory_space<semaphore_mem>>
          %dma_wait3A_94 = tpu.memref_squeeze %dma_wait3A_93 : memref<1x!tpu.dma_semaphore, #tpu.memory_space<semaphore_mem>> -> memref<!tpu.dma_semaphore, #tpu.memory_space<semaphore_mem>>
          %dma_wait3A_95 = arith.constant 0 : i32
          %dma_wait3A_96 = tpu.memref_slice %arg15[%sub3A_86, %mul3A_34, %dma_wait3A_95] : memref<77x4096x128xf32, #tpu.memory_space<hbm>> -> memref<1x128x128xf32, #tpu.memory_space<hbm>>
          %dma_wait3A_97 = tpu.memref_squeeze %dma_wait3A_96 : memref<1x128x128xf32, #tpu.memory_space<hbm>> -> memref<128x128xf32, #tpu.memory_space<hbm>>
          %dma_wait3A_98 = arith.constant 0 : i32
          %dma_wait3A_99 = arith.constant 0 : i32
          %dma_wait3A_100 = tpu.memref_slice %arg18[%rem3A_84, %dma_wait3A_98, %dma_wait3A_99] : memref<6x128x128xf32, #tpu.memory_space<vmem>> -> memref<1x128x128xf32, #tpu.memory_space<vmem>>
          %dma_wait3A_101 = tpu.memref_squeeze %dma_wait3A_100 : memref<1x128x128xf32, #tpu.memory_space<vmem>> -> memref<128x128xf32, #tpu.memory_space<vmem>>
          tpu.wait_dma2 semaphore(%dma_wait3A_94 : memref<!tpu.dma_semaphore, #tpu.memory_space<semaphore_mem>>) src(%dma_wait3A_101 : memref<128x128xf32, #tpu.memory_space<vmem>>) dst(%dma_wait3A_97 : memref<128x128xf32, #tpu.memory_space<hbm>>)
        } else {
        }
        %ge3A_68 = arith.constant 3 : i32
        %ge3A_69 = arith.cmpi sge, %scan3A_58, %ge3A_68 : i32
        %sub3A_70 = arith.constant 3 : i32
        %sub3A_71 = arith.subi %scan3A_58, %sub3A_70 : i32
        %lt3A_72 = arith.constant 77 : i32
        %lt3A_73 = arith.cmpi slt, %sub3A_71, %lt3A_72 : i32
        %and3A_74 = arith.andi %ge3A_69, %lt3A_73 : i1
        %convert_element_type3A_75 = arith.extui %and3A_74 : i1 to i32
        %cond3A_76 = arith.constant 0 : i32
        %cond3A_77 = arith.cmpi ne, %convert_element_type3A_75, %cond3A_76 : i32
        scf.if %cond3A_77 {
          %sub3A_83 = arith.constant 3 : i32
          %sub3A_84 = arith.subi %scan3A_58, %sub3A_83 : i32
          %rem3A_85 = arith.constant 6 : i32
          %rem3A_86 = arith.remsi %sub3A_84, %rem3A_85 : i32
          %dma_wait3A = arith.constant 0 : i32
          %dma_wait3A_87 = arith.constant 0 : i32
          %dma_wait3A_88 = tpu.memref_slice %arg18[%rem3A_86, %dma_wait3A, %dma_wait3A_87] : memref<6x128x128xf32, #tpu.memory_space<vmem>> -> memref<1x128x128xf32, #tpu.memory_space<vmem>>
          %dma_wait3A_89 = tpu.memref_squeeze %dma_wait3A_88 : memref<1x128x128xf32, #tpu.memory_space<vmem>> -> memref<128x128xf32, #tpu.memory_space<vmem>>
          %dma_wait3A_90 = arith.constant 0 : i32
          %dma_wait3A_91 = arith.constant 0 : i32
          %dma_wait3A_92 = tpu.memref_slice %arg6[%dma_wait3A_90, %dma_wait3A_91] : memref<10000x128xf32, #tpu.memory_space<hbm>> -> memref<128x128xf32, #tpu.memory_space<hbm>>
          %dma_wait3A_93 = tpu.memref_slice %arg19[%rem3A_86] : memref<6x!tpu.dma_semaphore, #tpu.memory_space<semaphore_mem>> -> memref<1x!tpu.dma_semaphore, #tpu.memory_space<semaphore_mem>>
          %dma_wait3A_94 = tpu.memref_squeeze %dma_wait3A_93 : memref<1x!tpu.dma_semaphore, #tpu.memory_space<semaphore_mem>> -> memref<!tpu.dma_semaphore, #tpu.memory_space<semaphore_mem>>
          %dma_wait3A_95 = arith.constant 0 : i32
          %dma_wait3A_96 = arith.constant 0 : i32
          %dma_wait3A_97 = tpu.memref_slice %arg18[%rem3A_86, %dma_wait3A_95, %dma_wait3A_96] : memref<6x128x128xf32, #tpu.memory_space<vmem>> -> memref<1x128x128xf32, #tpu.memory_space<vmem>>
          %dma_wait3A_98 = tpu.memref_squeeze %dma_wait3A_97 : memref<1x128x128xf32, #tpu.memory_space<vmem>> -> memref<128x128xf32, #tpu.memory_space<vmem>>
          %dma_wait3A_99 = arith.constant 0 : i32
          %dma_wait3A_100 = arith.constant 0 : i32
          %dma_wait3A_101 = tpu.memref_slice %arg6[%dma_wait3A_99, %dma_wait3A_100] : memref<10000x128xf32, #tpu.memory_space<hbm>> -> memref<128x128xf32, #tpu.memory_space<hbm>>
          tpu.wait_dma2 semaphore(%dma_wait3A_94 : memref<!tpu.dma_semaphore, #tpu.memory_space<semaphore_mem>>) src(%dma_wait3A_101 : memref<128x128xf32, #tpu.memory_space<hbm>>) dst(%dma_wait3A_98 : memref<128x128xf32, #tpu.memory_space<vmem>>)
          %sub3A_102 = arith.constant 3 : i32
          %sub3A_103 = arith.subi %scan3A_58, %sub3A_102 : i32
          %dma_start3A = arith.constant 0 : i32
          %dma_start3A_104 = arith.constant 0 : i32
          %dma_start3A_105 = tpu.memref_slice %arg18[%rem3A_86, %dma_start3A, %dma_start3A_104] : memref<6x128x128xf32, #tpu.memory_space<vmem>> -> memref<1x128x128xf32, #tpu.memory_space<vmem>>
          %dma_start3A_106 = tpu.memref_squeeze %dma_start3A_105 : memref<1x128x128xf32, #tpu.memory_space<vmem>> -> memref<128x128xf32, #tpu.memory_space<vmem>>
          %dma_start3A_107 = arith.constant 0 : i32
          %dma_start3A_108 = tpu.memref_slice %arg15[%sub3A_103, %mul3A_34, %dma_start3A_107] : memref<77x4096x128xf32, #tpu.memory_space<hbm>> -> memref<1x128x128xf32, #tpu.memory_space<hbm>>
          %dma_start3A_109 = tpu.memref_squeeze %dma_start3A_108 : memref<1x128x128xf32, #tpu.memory_space<hbm>> -> memref<128x128xf32, #tpu.memory_space<hbm>>
          %dma_start3A_110 = tpu.memref_slice %arg20[%rem3A_86] : memref<6x!tpu.dma_semaphore, #tpu.memory_space<semaphore_mem>> -> memref<1x!tpu.dma_semaphore, #tpu.memory_space<semaphore_mem>>
          %dma_start3A_111 = tpu.memref_squeeze %dma_start3A_110 : memref<1x!tpu.dma_semaphore, #tpu.memory_space<semaphore_mem>> -> memref<!tpu.dma_semaphore, #tpu.memory_space<semaphore_mem>>
          %dma_start3A_112 = arith.constant 0 : i32
          %dma_start3A_113 = tpu.memref_slice %arg15[%sub3A_103, %mul3A_34, %dma_start3A_112] : memref<77x4096x128xf32, #tpu.memory_space<hbm>> -> memref<1x128x128xf32, #tpu.memory_space<hbm>>
          %dma_start3A_114 = tpu.memref_squeeze %dma_start3A_113 : memref<1x128x128xf32, #tpu.memory_space<hbm>> -> memref<128x128xf32, #tpu.memory_space<hbm>>
          %dma_start3A_115 = arith.constant 0 : i32
          %dma_start3A_116 = arith.constant 0 : i32
          %dma_start3A_117 = tpu.memref_slice %arg18[%rem3A_86, %dma_start3A_115, %dma_start3A_116] : memref<6x128x128xf32, #tpu.memory_space<vmem>> -> memref<1x128x128xf32, #tpu.memory_space<vmem>>
          %dma_start3A_118 = tpu.memref_squeeze %dma_start3A_117 : memref<1x128x128xf32, #tpu.memory_space<vmem>> -> memref<128x128xf32, #tpu.memory_space<vmem>>
          tpu.enqueue_dma source(%dma_start3A_118 : memref<128x128xf32, #tpu.memory_space<vmem>>) target(%dma_start3A_114 : memref<128x128xf32, #tpu.memory_space<hbm>>) target_semaphore(%dma_start3A_111 : memref<!tpu.dma_semaphore, #tpu.memory_space<semaphore_mem>>)
        } else {
        }
        %lt3A_78 = arith.constant 77 : i32
        %lt3A_79 = arith.cmpi slt, %scan3A_58, %lt3A_78 : i32
        %convert_element_type3A_80 = arith.extui %lt3A_79 : i1 to i32
        %cond3A_81 = arith.constant 0 : i32
        %cond3A_82 = arith.cmpi ne, %convert_element_type3A_80, %cond3A_81 : i32
        scf.if %cond3A_82 {
          %rem3A_83 = arith.constant 6 : i32
          %rem3A_84 = arith.remsi %scan3A_58, %rem3A_83 : i32
          %ge3A_85 = arith.constant 1 : i32
          %ge3A_86 = arith.cmpi sge, %scan3A_58, %ge3A_85 : i32
          %lt3A_87 = arith.constant 17 : i32
          %lt3A_88 = arith.cmpi slt, %scan3A_58, %lt3A_87 : i32
          %and3A_89 = arith.andi %ge3A_86, %lt3A_88 : i1
          %jit3A_90 = arith.constant 16 : i32
          %jit3A_91 = arith.constant 1 : i32
          %select_n3A_92 = arith.select %and3A_89, %jit3A_90, %jit3A_91 : i32
          %eq3A_93 = arith.constant 0 : i32
          %eq3A_94 = arith.cmpi eq, %scan3A_58, %eq3A_93 : i32
          %sub3A_95 = arith.constant 1 : i32
          %sub3A_96 = arith.subi %scan3A_58, %sub3A_95 : i32
          %sub3A_97 = arith.constant 17 : i32
          %sub3A_98 = arith.subi %scan3A_58, %sub3A_97 : i32
          %mul3A_99 = arith.constant 10000 : i32
          %mul3A_100 = arith.muli %sub3A_98, %mul3A_99 : i32
          %select_n3A_101 = arith.select %and3A_89, %sub3A_96, %mul3A_100 : i32
          %jit3A_102 = arith.constant 0 : i32
          %select_n3A_103 = arith.select %eq3A_94, %jit3A_102, %select_n3A_101 : i32
          %get3A = arith.constant 0 : index
          %get3A_104 = tpu.vector_load %arg16[%get3A] {strides = array<i32>} : memref<128xi32, #tpu.memory_space<vmem>>, vector<16xi32>,
          %mul3A_105 = vector.broadcast %select_n3A_92 : i32 to vector<16xi32>
          %mul3A_106 = arith.muli %get3A_104, %mul3A_105 : vector<16xi32>
          %add3A_107 = vector.broadcast %select_n3A_103 : i32 to vector<16xi32>
          %add3A_108 = arith.addi %mul3A_106, %add3A_107 : vector<16xi32>
          %swap3A = arith.index_cast %rem3A_84 : i32 to index
          %swap3A_109 = arith.constant 0 : index
          %swap3A_110 = tpu.vector_load %arg17[%swap3A, %swap3A_109] {strides = array<i32>} : memref<6x128xi32, #tpu.memory_space<vmem>>, vector<16xi32>,
          tpu.vector_store %arg17[%swap3A, %swap3A_109], %add3A_108 {strides = array<i32>} : memref<6x128xi32, #tpu.memory_space<vmem>>, vector<16xi32>,
          %get3A_111 = arith.constant 16 : index
          %get3A_112 = tpu.vector_load %arg16[%get3A_111] {strides = array<i32>} : memref<128xi32, #tpu.memory_space<vmem>>, vector<16xi32>,
          %mul3A_113 = vector.broadcast %select_n3A_92 : i32 to vector<16xi32>
          %mul3A_114 = arith.muli %get3A_112, %mul3A_113 : vector<16xi32>
          %add3A_115 = vector.broadcast %select_n3A_103 : i32 to vector<16xi32>
          %add3A_116 = arith.addi %mul3A_114, %add3A_115 : vector<16xi32>
          %swap3A_117 = arith.index_cast %rem3A_84 : i32 to index
          %swap3A_118 = arith.constant 16 : index
          %swap3A_119 = tpu.vector_load %arg17[%swap3A_117, %swap3A_118] {strides = array<i32>} : memref<6x128xi32, #tpu.memory_space<vmem>>, vector<16xi32>,
          tpu.vector_store %arg17[%swap3A_117, %swap3A_118], %add3A_116 {strides = array<i32>} : memref<6x128xi32, #tpu.memory_space<vmem>>, vector<16xi32>,
          %get3A_120 = arith.constant 32 : index
          %get3A_121 = tpu.vector_load %arg16[%get3A_120] {strides = array<i32>} : memref<128xi32, #tpu.memory_space<vmem>>, vector<16xi32>,
          %mul3A_122 = vector.broadcast %select_n3A_92 : i32 to vector<16xi32>
          %mul3A_123 = arith.muli %get3A_121, %mul3A_122 : vector<16xi32>
          %add3A_124 = vector.broadcast %select_n3A_103 : i32 to vector<16xi32>
          %add3A_125 = arith.addi %mul3A_123, %add3A_124 : vector<16xi32>
          %swap3A_126 = arith.index_cast %rem3A_84 : i32 to index
          %swap3A_127 = arith.constant 32 : index
          %swap3A_128 = tpu.vector_load %arg17[%swap3A_126, %swap3A_127] {strides = array<i32>} : memref<6x128xi32, #tpu.memory_space<vmem>>, vector<16xi32>,
          tpu.vector_store %arg17[%swap3A_126, %swap3A_127], %add3A_125 {strides = array<i32>} : memref<6x128xi32, #tpu.memory_space<vmem>>, vector<16xi32>,
          %get3A_129 = arith.constant 48 : index
          %get3A_130 = tpu.vector_load %arg16[%get3A_129] {strides = array<i32>} : memref<128xi32, #tpu.memory_space<vmem>>, vector<16xi32>,
          %mul3A_131 = vector.broadcast %select_n3A_92 : i32 to vector<16xi32>
          %mul3A_132 = arith.muli %get3A_130, %mul3A_131 : vector<16xi32>
          %add3A_133 = vector.broadcast %select_n3A_103 : i32 to vector<16xi32>
          %add3A_134 = arith.addi %mul3A_132, %add3A_133 : vector<16xi32>
          %swap3A_135 = arith.index_cast %rem3A_84 : i32 to index
          %swap3A_136 = arith.constant 48 : index
          %swap3A_137 = tpu.vector_load %arg17[%swap3A_135, %swap3A_136] {strides = array<i32>} : memref<6x128xi32, #tpu.memory_space<vmem>>, vector<16xi32>,
          tpu.vector_store %arg17[%swap3A_135, %swap3A_136], %add3A_134 {strides = array<i32>} : memref<6x128xi32, #tpu.memory_space<vmem>>, vector<16xi32>,
          %get3A_138 = arith.constant 64 : index
          %get3A_139 = tpu.vector_load %arg16[%get3A_138] {strides = array<i32>} : memref<128xi32, #tpu.memory_space<vmem>>, vector<16xi32>,
          %mul3A_140 = vector.broadcast %select_n3A_92 : i32 to vector<16xi32>
          %mul3A_141 = arith.muli %get3A_139, %mul3A_140 : vector<16xi32>
          %add3A_142 = vector.broadcast %select_n3A_103 : i32 to vector<16xi32>
          %add3A_143 = arith.addi %mul3A_141, %add3A_142 : vector<16xi32>
          %swap3A_144 = arith.index_cast %rem3A_84 : i32 to index
          %swap3A_145 = arith.constant 64 : index
          %swap3A_146 = tpu.vector_load %arg17[%swap3A_144, %swap3A_145] {strides = array<i32>} : memref<6x128xi32, #tpu.memory_space<vmem>>, vector<16xi32>,
          tpu.vector_store %arg17[%swap3A_144, %swap3A_145], %add3A_143 {strides = array<i32>} : memref<6x128xi32, #tpu.memory_space<vmem>>, vector<16xi32>,
          %get3A_147 = arith.constant 80 : index
          %get3A_148 = tpu.vector_load %arg16[%get3A_147] {strides = array<i32>} : memref<128xi32, #tpu.memory_space<vmem>>, vector<16xi32>,
          %mul3A_149 = vector.broadcast %select_n3A_92 : i32 to vector<16xi32>
          %mul3A_150 = arith.muli %get3A_148, %mul3A_149 : vector<16xi32>
          %add3A_151 = vector.broadcast %select_n3A_103 : i32 to vector<16xi32>
          %add3A_152 = arith.addi %mul3A_150, %add3A_151 : vector<16xi32>
          %swap3A_153 = arith.index_cast %rem3A_84 : i32 to index
          %swap3A_154 = arith.constant 80 : index
          %swap3A_155 = tpu.vector_load %arg17[%swap3A_153, %swap3A_154] {strides = array<i32>} : memref<6x128xi32, #tpu.memory_space<vmem>>, vector<16xi32>,
          tpu.vector_store %arg17[%swap3A_153, %swap3A_154], %add3A_152 {strides = array<i32>} : memref<6x128xi32, #tpu.memory_space<vmem>>, vector<16xi32>,
          %get3A_156 = arith.constant 96 : index
          %get3A_157 = tpu.vector_load %arg16[%get3A_156] {strides = array<i32>} : memref<128xi32, #tpu.memory_space<vmem>>, vector<16xi32>,
          %mul3A_158 = vector.broadcast %select_n3A_92 : i32 to vector<16xi32>
          %mul3A_159 = arith.muli %get3A_157, %mul3A_158 : vector<16xi32>
          %add3A_160 = vector.broadcast %select_n3A_103 : i32 to vector<16xi32>
          %add3A_161 = arith.addi %mul3A_159, %add3A_160 : vector<16xi32>
          %swap3A_162 = arith.index_cast %rem3A_84 : i32 to index
          %swap3A_163 = arith.constant 96 : index
          %swap3A_164 = tpu.vector_load %arg17[%swap3A_162, %swap3A_163] {strides = array<i32>} : memref<6x128xi32, #tpu.memory_space<vmem>>, vector<16xi32>,
          tpu.vector_store %arg17[%swap3A_162, %swap3A_163], %add3A_161 {strides = array<i32>} : memref<6x128xi32, #tpu.memory_space<vmem>>, vector<16xi32>,
          %get3A_165 = arith.constant 112 : index
          %get3A_166 = tpu.vector_load %arg16[%get3A_165] {strides = array<i32>} : memref<128xi32, #tpu.memory_space<vmem>>, vector<16xi32>,
          %mul3A_167 = vector.broadcast %select_n3A_92 : i32 to vector<16xi32>
          %mul3A_168 = arith.muli %get3A_166, %mul3A_167 : vector<16xi32>
          %add3A_169 = vector.broadcast %select_n3A_103 : i32 to vector<16xi32>
          %add3A_170 = arith.addi %mul3A_168, %add3A_169 : vector<16xi32>
          %swap3A_171 = arith.index_cast %rem3A_84 : i32 to index
          %swap3A_172 = arith.constant 112 : index
          %swap3A_173 = tpu.vector_load %arg17[%swap3A_171, %swap3A_172] {strides = array<i32>} : memref<6x128xi32, #tpu.memory_space<vmem>>, vector<16xi32>,
          tpu.vector_store %arg17[%swap3A_171, %swap3A_172], %add3A_170 {strides = array<i32>} : memref<6x128xi32, #tpu.memory_space<vmem>>, vector<16xi32>,
          %eq3A_174 = arith.constant 0 : i32
          %eq3A_175 = arith.cmpi eq, %scan3A_58, %eq3A_174 : i32
          %convert_element_type3A_176 = arith.extui %eq3A_175 : i1 to i32
          %cond3A_177 = arith.constant 0 : i32
          %cond3A_178 = arith.cmpi ne, %convert_element_type3A_176, %cond3A_177 : i32
          scf.if %cond3A_178 {
            %dma_start3A = arith.constant 0 : i32
            %dma_start3A_192 = arith.constant 0 : i32
            %dma_start3A_193 = tpu.memref_slice %arg18[%rem3A_84, %dma_start3A, %dma_start3A_192] : memref<6x128x128xf32, #tpu.memory_space<vmem>> -> memref<1x128x128xf32, #tpu.memory_space<vmem>>
            %dma_start3A_194 = tpu.memref_squeeze %dma_start3A_193 : memref<1x128x128xf32, #tpu.memory_space<vmem>> -> memref<128x128xf32, #tpu.memory_space<vmem>>
            %dma_start3A_195 = arith.constant 0 : i32
            %dma_start3A_196 = tpu.memref_slice %arg17[%rem3A_84, %dma_start3A_195] : memref<6x128xi32, #tpu.memory_space<vmem>> -> memref<1x128xi32, #tpu.memory_space<vmem>>
            %dma_start3A_197 = tpu.memref_squeeze %dma_start3A_196 : memref<1x128xi32, #tpu.memory_space<vmem>> -> memref<128xi32, #tpu.memory_space<vmem>>
            %dma_start3A_198 = arith.constant 0 : i32
            %dma_start3A_199 = arith.constant 0 : i32
            %dma_start3A_200 = tpu.memref_slice %arg6[%dma_start3A_198, %dma_start3A_199] : memref<10000x128xf32, #tpu.memory_space<hbm>> -> memref<10000x128xf32, #tpu.memory_space<hbm>>
            %dma_start3A_201 = tpu.memref_slice %arg19[%rem3A_84] : memref<6x!tpu.dma_semaphore, #tpu.memory_space<semaphore_mem>> -> memref<1x!tpu.dma_semaphore, #tpu.memory_space<semaphore_mem>>
            %dma_start3A_202 = tpu.memref_squeeze %dma_start3A_201 : memref<1x!tpu.dma_semaphore, #tpu.memory_space<semaphore_mem>> -> memref<!tpu.dma_semaphore, #tpu.memory_space<semaphore_mem>>
            tpu.enqueue_indirect_dma source(%dma_start3A_200 : memref<10000x128xf32, #tpu.memory_space<hbm>>) target(%dma_start3A_194 : memref<128x128xf32, #tpu.memory_space<vmem>>) offsets(%dma_start3A_197 : memref<128xi32, #tpu.memory_space<vmem>>) semaphore(%dma_start3A_202 : memref<!tpu.dma_semaphore, #tpu.memory_space<semaphore_mem>>)
          } else {
          }
          %ge3A_179 = arith.constant 1 : i32
          %ge3A_180 = arith.cmpi sge, %scan3A_58, %ge3A_179 : i32
          %lt3A_181 = arith.constant 17 : i32
          %lt3A_182 = arith.cmpi slt, %scan3A_58, %lt3A_181 : i32
          %and3A_183 = arith.andi %ge3A_180, %lt3A_182 : i1
          %convert_element_type3A_184 = arith.extui %and3A_183 : i1 to i32
          %cond3A_185 = arith.constant 0 : i32
          %cond3A_186 = arith.cmpi ne, %convert_element_type3A_184, %cond3A_185 : i32
          scf.if %cond3A_186 {
            %dma_start3A = arith.constant 0 : i32
            %dma_start3A_192 = arith.constant 0 : i32
            %dma_start3A_193 = tpu.memref_slice %arg18[%rem3A_84, %dma_start3A, %dma_start3A_192] : memref<6x128x128xf32, #tpu.memory_space<vmem>> -> memref<1x128x128xf32, #tpu.memory_space<vmem>>
            %dma_start3A_194 = tpu.memref_squeeze %dma_start3A_193 : memref<1x128x128xf32, #tpu.memory_space<vmem>> -> memref<128x128xf32, #tpu.memory_space<vmem>>
            %dma_start3A_195 = arith.constant 0 : i32
            %dma_start3A_196 = tpu.memref_slice %arg17[%rem3A_84, %dma_start3A_195] : memref<6x128xi32, #tpu.memory_space<vmem>> -> memref<1x128xi32, #tpu.memory_space<vmem>>
            %dma_start3A_197 = tpu.memref_squeeze %dma_start3A_196 : memref<1x128xi32, #tpu.memory_space<vmem>> -> memref<128xi32, #tpu.memory_space<vmem>>
            %dma_start3A_198 = arith.constant 0 : i32
            %dma_start3A_199 = arith.constant 0 : i32
            %dma_start3A_200 = tpu.memref_slice %arg7[%dma_start3A_198, %dma_start3A_199] : memref<160000x128xf32, #tpu.memory_space<hbm>> -> memref<160000x128xf32, #tpu.memory_space<hbm>>
            %dma_start3A_201 = tpu.memref_slice %arg19[%rem3A_84] : memref<6x!tpu.dma_semaphore, #tpu.memory_space<semaphore_mem>> -> memref<1x!tpu.dma_semaphore, #tpu.memory_space<semaphore_mem>>
            %dma_start3A_202 = tpu.memref_squeeze %dma_start3A_201 : memref<1x!tpu.dma_semaphore, #tpu.memory_space<semaphore_mem>> -> memref<!tpu.dma_semaphore, #tpu.memory_space<semaphore_mem>>
            tpu.enqueue_indirect_dma source(%dma_start3A_200 : memref<160000x128xf32, #tpu.memory_space<hbm>>) target(%dma_start3A_194 : memref<128x128xf32, #tpu.memory_space<vmem>>) offsets(%dma_start3A_197 : memref<128xi32, #tpu.memory_space<vmem>>) semaphore(%dma_start3A_202 : memref<!tpu.dma_semaphore, #tpu.memory_space<semaphore_mem>>)
          } else {
          }
          %ge3A_187 = arith.constant 17 : i32
          %ge3A_188 = arith.cmpi sge, %scan3A_58, %ge3A_187 : i32
          %convert_element_type3A_189 = arith.extui %ge3A_188 : i1 to i32
          %cond3A_190 = arith.constant 0 : i32
          %cond3A_191 = arith.cmpi ne, %convert_element_type3A_189, %cond3A_190 : i32
          scf.if %cond3A_191 {
            %dma_start3A = arith.constant 0 : i32
            %dma_start3A_192 = arith.constant 0 : i32
            %dma_start3A_193 = tpu.memref_slice %arg18[%rem3A_84, %dma_start3A, %dma_start3A_192] : memref<6x128x128xf32, #tpu.memory_space<vmem>> -> memref<1x128x128xf32, #tpu.memory_space<vmem>>
            %dma_start3A_194 = tpu.memref_squeeze %dma_start3A_193 : memref<1x128x128xf32, #tpu.memory_space<vmem>> -> memref<128x128xf32, #tpu.memory_space<vmem>>
            %dma_start3A_195 = arith.constant 0 : i32
            %dma_start3A_196 = tpu.memref_slice %arg17[%rem3A_84, %dma_start3A_195] : memref<6x128xi32, #tpu.memory_space<vmem>> -> memref<1x128xi32, #tpu.memory_space<vmem>>
            %dma_start3A_197 = tpu.memref_squeeze %dma_start3A_196 : memref<1x128xi32, #tpu.memory_space<vmem>> -> memref<128xi32, #tpu.memory_space<vmem>>
            %dma_start3A_198 = arith.constant 0 : i32
            %dma_start3A_199 = arith.constant 0 : i32
            %dma_start3A_200 = tpu.memref_slice %arg8[%dma_start3A_198, %dma_start3A_199] : memref<600000x128xf32, #tpu.memory_space<hbm>> -> memref<600000x128xf32, #tpu.memory_space<hbm>>
            %dma_start3A_201 = tpu.memref_slice %arg19[%rem3A_84] : memref<6x!tpu.dma_semaphore, #tpu.memory_space<semaphore_mem>> -> memref<1x!tpu.dma_semaphore, #tpu.memory_space<semaphore_mem>>
            %dma_start3A_202 = tpu.memref_squeeze %dma_start3A_201 : memref<1x!tpu.dma_semaphore, #tpu.memory_space<semaphore_mem>> -> memref<!tpu.dma_semaphore, #tpu.memory_space<semaphore_mem>>
            tpu.enqueue_indirect_dma source(%dma_start3A_200 : memref<600000x128xf32, #tpu.memory_space<hbm>>) target(%dma_start3A_194 : memref<128x128xf32, #tpu.memory_space<vmem>>) offsets(%dma_start3A_197 : memref<128xi32, #tpu.memory_space<vmem>>) semaphore(%dma_start3A_202 : memref<!tpu.dma_semaphore, #tpu.memory_space<semaphore_mem>>)
          } else {
          }
        } else {
        }
      }
      %scan3A_57 = arith.constant 83 : i32
    } else {
    }
    %eq3A_43 = arith.constant 2 : i32
    %eq3A_44 = arith.cmpi eq, %select_n3A, %eq3A_43 : i32
    %convert_element_type3A_45 = arith.extui %eq3A_44 : i1 to i32
    %cond3A_46 = arith.constant 0 : i32
    %cond3A_47 = arith.cmpi ne, %convert_element_type3A_45, %cond3A_46 : i32
    scf.if %cond3A_47 {
      %scan3A = arith.constant 0 : i32
      %scan3A_53 = arith.constant 0 : i32
      %scan3A_54 = arith.constant 83 : i32
      %scan3A_55 = arith.addi %scan3A_53, %scan3A_54 : i32
      %scan3A_56 = arith.constant 1 : i32
      scf.for %scan3A_58 = %scan3A_53 to %scan3A_55 step %scan3A_56  : i32 {
        %ge3A = arith.constant 6 : i32
        %ge3A_59 = arith.cmpi sge, %scan3A_58, %ge3A : i32
        %sub3A_60 = arith.constant 6 : i32
        %sub3A_61 = arith.subi %scan3A_58, %sub3A_60 : i32
        %lt3A_62 = arith.constant 77 : i32
        %lt3A_63 = arith.cmpi slt, %sub3A_61, %lt3A_62 : i32
        %and3A_64 = arith.andi %ge3A_59, %lt3A_63 : i1
        %convert_element_type3A_65 = arith.extui %and3A_64 : i1 to i32
        %cond3A_66 = arith.constant 0 : i32
        %cond3A_67 = arith.cmpi ne, %convert_element_type3A_65, %cond3A_66 : i32
        scf.if %cond3A_67 {
          %rem3A_83 = arith.constant 6 : i32
          %rem3A_84 = arith.remsi %scan3A_58, %rem3A_83 : i32
          %sub3A_85 = arith.constant 6 : i32
          %sub3A_86 = arith.subi %scan3A_58, %sub3A_85 : i32
          %dma_wait3A = arith.constant 0 : i32
          %dma_wait3A_87 = arith.constant 0 : i32
          %dma_wait3A_88 = tpu.memref_slice %arg18[%rem3A_84, %dma_wait3A, %dma_wait3A_87] : memref<6x128x128xf32, #tpu.memory_space<vmem>> -> memref<1x128x128xf32, #tpu.memory_space<vmem>>
          %dma_wait3A_89 = tpu.memref_squeeze %dma_wait3A_88 : memref<1x128x128xf32, #tpu.memory_space<vmem>> -> memref<128x128xf32, #tpu.memory_space<vmem>>
          %dma_wait3A_90 = arith.constant 0 : i32
          %dma_wait3A_91 = tpu.memref_slice %arg15[%sub3A_86, %mul3A_34, %dma_wait3A_90] : memref<77x4096x128xf32, #tpu.memory_space<hbm>> -> memref<1x128x128xf32, #tpu.memory_space<hbm>>
          %dma_wait3A_92 = tpu.memref_squeeze %dma_wait3A_91 : memref<1x128x128xf32, #tpu.memory_space<hbm>> -> memref<128x128xf32, #tpu.memory_space<hbm>>
          %dma_wait3A_93 = tpu.memref_slice %arg20[%rem3A_84] : memref<6x!tpu.dma_semaphore, #tpu.memory_space<semaphore_mem>> -> memref<1x!tpu.dma_semaphore, #tpu.memory_space<semaphore_mem>>
          %dma_wait3A_94 = tpu.memref_squeeze %dma_wait3A_93 : memref<1x!tpu.dma_semaphore, #tpu.memory_space<semaphore_mem>> -> memref<!tpu.dma_semaphore, #tpu.memory_space<semaphore_mem>>
          %dma_wait3A_95 = arith.constant 0 : i32
          %dma_wait3A_96 = tpu.memref_slice %arg15[%sub3A_86, %mul3A_34, %dma_wait3A_95] : memref<77x4096x128xf32, #tpu.memory_space<hbm>> -> memref<1x128x128xf32, #tpu.memory_space<hbm>>
          %dma_wait3A_97 = tpu.memref_squeeze %dma_wait3A_96 : memref<1x128x128xf32, #tpu.memory_space<hbm>> -> memref<128x128xf32, #tpu.memory_space<hbm>>
          %dma_wait3A_98 = arith.constant 0 : i32
          %dma_wait3A_99 = arith.constant 0 : i32
          %dma_wait3A_100 = tpu.memref_slice %arg18[%rem3A_84, %dma_wait3A_98, %dma_wait3A_99] : memref<6x128x128xf32, #tpu.memory_space<vmem>> -> memref<1x128x128xf32, #tpu.memory_space<vmem>>
          %dma_wait3A_101 = tpu.memref_squeeze %dma_wait3A_100 : memref<1x128x128xf32, #tpu.memory_space<vmem>> -> memref<128x128xf32, #tpu.memory_space<vmem>>
          tpu.wait_dma2 semaphore(%dma_wait3A_94 : memref<!tpu.dma_semaphore, #tpu.memory_space<semaphore_mem>>) src(%dma_wait3A_101 : memref<128x128xf32, #tpu.memory_space<vmem>>) dst(%dma_wait3A_97 : memref<128x128xf32, #tpu.memory_space<hbm>>)
        } else {
        }
        %ge3A_68 = arith.constant 3 : i32
        %ge3A_69 = arith.cmpi sge, %scan3A_58, %ge3A_68 : i32
        %sub3A_70 = arith.constant 3 : i32
        %sub3A_71 = arith.subi %scan3A_58, %sub3A_70 : i32
        %lt3A_72 = arith.constant 77 : i32
        %lt3A_73 = arith.cmpi slt, %sub3A_71, %lt3A_72 : i32
        %and3A_74 = arith.andi %ge3A_69, %lt3A_73 : i1
        %convert_element_type3A_75 = arith.extui %and3A_74 : i1 to i32
        %cond3A_76 = arith.constant 0 : i32
        %cond3A_77 = arith.cmpi ne, %convert_element_type3A_75, %cond3A_76 : i32
        scf.if %cond3A_77 {
          %sub3A_83 = arith.constant 3 : i32
          %sub3A_84 = arith.subi %scan3A_58, %sub3A_83 : i32
          %rem3A_85 = arith.constant 6 : i32
          %rem3A_86 = arith.remsi %sub3A_84, %rem3A_85 : i32
          %dma_wait3A = arith.constant 0 : i32
          %dma_wait3A_87 = arith.constant 0 : i32
          %dma_wait3A_88 = tpu.memref_slice %arg18[%rem3A_86, %dma_wait3A, %dma_wait3A_87] : memref<6x128x128xf32, #tpu.memory_space<vmem>> -> memref<1x128x128xf32, #tpu.memory_space<vmem>>
          %dma_wait3A_89 = tpu.memref_squeeze %dma_wait3A_88 : memref<1x128x128xf32, #tpu.memory_space<vmem>> -> memref<128x128xf32, #tpu.memory_space<vmem>>
          %dma_wait3A_90 = arith.constant 0 : i32
          %dma_wait3A_91 = arith.constant 0 : i32
          %dma_wait3A_92 = tpu.memref_slice %arg9[%dma_wait3A_90, %dma_wait3A_91] : memref<10000x128xf32, #tpu.memory_space<hbm>> -> memref<128x128xf32, #tpu.memory_space<hbm>>
          %dma_wait3A_93 = tpu.memref_slice %arg19[%rem3A_86] : memref<6x!tpu.dma_semaphore, #tpu.memory_space<semaphore_mem>> -> memref<1x!tpu.dma_semaphore, #tpu.memory_space<semaphore_mem>>
          %dma_wait3A_94 = tpu.memref_squeeze %dma_wait3A_93 : memref<1x!tpu.dma_semaphore, #tpu.memory_space<semaphore_mem>> -> memref<!tpu.dma_semaphore, #tpu.memory_space<semaphore_mem>>
          %dma_wait3A_95 = arith.constant 0 : i32
          %dma_wait3A_96 = arith.constant 0 : i32
          %dma_wait3A_97 = tpu.memref_slice %arg18[%rem3A_86, %dma_wait3A_95, %dma_wait3A_96] : memref<6x128x128xf32, #tpu.memory_space<vmem>> -> memref<1x128x128xf32, #tpu.memory_space<vmem>>
          %dma_wait3A_98 = tpu.memref_squeeze %dma_wait3A_97 : memref<1x128x128xf32, #tpu.memory_space<vmem>> -> memref<128x128xf32, #tpu.memory_space<vmem>>
          %dma_wait3A_99 = arith.constant 0 : i32
          %dma_wait3A_100 = arith.constant 0 : i32
          %dma_wait3A_101 = tpu.memref_slice %arg9[%dma_wait3A_99, %dma_wait3A_100] : memref<10000x128xf32, #tpu.memory_space<hbm>> -> memref<128x128xf32, #tpu.memory_space<hbm>>
          tpu.wait_dma2 semaphore(%dma_wait3A_94 : memref<!tpu.dma_semaphore, #tpu.memory_space<semaphore_mem>>) src(%dma_wait3A_101 : memref<128x128xf32, #tpu.memory_space<hbm>>) dst(%dma_wait3A_98 : memref<128x128xf32, #tpu.memory_space<vmem>>)
          %sub3A_102 = arith.constant 3 : i32
          %sub3A_103 = arith.subi %scan3A_58, %sub3A_102 : i32
          %dma_start3A = arith.constant 0 : i32
          %dma_start3A_104 = arith.constant 0 : i32
          %dma_start3A_105 = tpu.memref_slice %arg18[%rem3A_86, %dma_start3A, %dma_start3A_104] : memref<6x128x128xf32, #tpu.memory_space<vmem>> -> memref<1x128x128xf32, #tpu.memory_space<vmem>>
          %dma_start3A_106 = tpu.memref_squeeze %dma_start3A_105 : memref<1x128x128xf32, #tpu.memory_space<vmem>> -> memref<128x128xf32, #tpu.memory_space<vmem>>
          %dma_start3A_107 = arith.constant 0 : i32
          %dma_start3A_108 = tpu.memref_slice %arg15[%sub3A_103, %mul3A_34, %dma_start3A_107] : memref<77x4096x128xf32, #tpu.memory_space<hbm>> -> memref<1x128x128xf32, #tpu.memory_space<hbm>>
          %dma_start3A_109 = tpu.memref_squeeze %dma_start3A_108 : memref<1x128x128xf32, #tpu.memory_space<hbm>> -> memref<128x128xf32, #tpu.memory_space<hbm>>
          %dma_start3A_110 = tpu.memref_slice %arg20[%rem3A_86] : memref<6x!tpu.dma_semaphore, #tpu.memory_space<semaphore_mem>> -> memref<1x!tpu.dma_semaphore, #tpu.memory_space<semaphore_mem>>
          %dma_start3A_111 = tpu.memref_squeeze %dma_start3A_110 : memref<1x!tpu.dma_semaphore, #tpu.memory_space<semaphore_mem>> -> memref<!tpu.dma_semaphore, #tpu.memory_space<semaphore_mem>>
          %dma_start3A_112 = arith.constant 0 : i32
          %dma_start3A_113 = tpu.memref_slice %arg15[%sub3A_103, %mul3A_34, %dma_start3A_112] : memref<77x4096x128xf32, #tpu.memory_space<hbm>> -> memref<1x128x128xf32, #tpu.memory_space<hbm>>
          %dma_start3A_114 = tpu.memref_squeeze %dma_start3A_113 : memref<1x128x128xf32, #tpu.memory_space<hbm>> -> memref<128x128xf32, #tpu.memory_space<hbm>>
          %dma_start3A_115 = arith.constant 0 : i32
          %dma_start3A_116 = arith.constant 0 : i32
          %dma_start3A_117 = tpu.memref_slice %arg18[%rem3A_86, %dma_start3A_115, %dma_start3A_116] : memref<6x128x128xf32, #tpu.memory_space<vmem>> -> memref<1x128x128xf32, #tpu.memory_space<vmem>>
          %dma_start3A_118 = tpu.memref_squeeze %dma_start3A_117 : memref<1x128x128xf32, #tpu.memory_space<vmem>> -> memref<128x128xf32, #tpu.memory_space<vmem>>
          tpu.enqueue_dma source(%dma_start3A_118 : memref<128x128xf32, #tpu.memory_space<vmem>>) target(%dma_start3A_114 : memref<128x128xf32, #tpu.memory_space<hbm>>) target_semaphore(%dma_start3A_111 : memref<!tpu.dma_semaphore, #tpu.memory_space<semaphore_mem>>)
        } else {
        }
        %lt3A_78 = arith.constant 77 : i32
        %lt3A_79 = arith.cmpi slt, %scan3A_58, %lt3A_78 : i32
        %convert_element_type3A_80 = arith.extui %lt3A_79 : i1 to i32
        %cond3A_81 = arith.constant 0 : i32
        %cond3A_82 = arith.cmpi ne, %convert_element_type3A_80, %cond3A_81 : i32
        scf.if %cond3A_82 {
          %rem3A_83 = arith.constant 6 : i32
          %rem3A_84 = arith.remsi %scan3A_58, %rem3A_83 : i32
          %ge3A_85 = arith.constant 1 : i32
          %ge3A_86 = arith.cmpi sge, %scan3A_58, %ge3A_85 : i32
          %lt3A_87 = arith.constant 17 : i32
          %lt3A_88 = arith.cmpi slt, %scan3A_58, %lt3A_87 : i32
          %and3A_89 = arith.andi %ge3A_86, %lt3A_88 : i1
          %jit3A_90 = arith.constant 16 : i32
          %jit3A_91 = arith.constant 1 : i32
          %select_n3A_92 = arith.select %and3A_89, %jit3A_90, %jit3A_91 : i32
          %eq3A_93 = arith.constant 0 : i32
          %eq3A_94 = arith.cmpi eq, %scan3A_58, %eq3A_93 : i32
          %sub3A_95 = arith.constant 1 : i32
          %sub3A_96 = arith.subi %scan3A_58, %sub3A_95 : i32
          %sub3A_97 = arith.constant 17 : i32
          %sub3A_98 = arith.subi %scan3A_58, %sub3A_97 : i32
          %mul3A_99 = arith.constant 10000 : i32
          %mul3A_100 = arith.muli %sub3A_98, %mul3A_99 : i32
          %select_n3A_101 = arith.select %and3A_89, %sub3A_96, %mul3A_100 : i32
          %jit3A_102 = arith.constant 0 : i32
          %select_n3A_103 = arith.select %eq3A_94, %jit3A_102, %select_n3A_101 : i32
          %get3A = arith.constant 0 : index
          %get3A_104 = tpu.vector_load %arg16[%get3A] {strides = array<i32>} : memref<128xi32, #tpu.memory_space<vmem>>, vector<16xi32>,
          %mul3A_105 = vector.broadcast %select_n3A_92 : i32 to vector<16xi32>
          %mul3A_106 = arith.muli %get3A_104, %mul3A_105 : vector<16xi32>
          %add3A_107 = vector.broadcast %select_n3A_103 : i32 to vector<16xi32>
          %add3A_108 = arith.addi %mul3A_106, %add3A_107 : vector<16xi32>
          %swap3A = arith.index_cast %rem3A_84 : i32 to index
          %swap3A_109 = arith.constant 0 : index
          %swap3A_110 = tpu.vector_load %arg17[%swap3A, %swap3A_109] {strides = array<i32>} : memref<6x128xi32, #tpu.memory_space<vmem>>, vector<16xi32>,
          tpu.vector_store %arg17[%swap3A, %swap3A_109], %add3A_108 {strides = array<i32>} : memref<6x128xi32, #tpu.memory_space<vmem>>, vector<16xi32>,
          %get3A_111 = arith.constant 16 : index
          %get3A_112 = tpu.vector_load %arg16[%get3A_111] {strides = array<i32>} : memref<128xi32, #tpu.memory_space<vmem>>, vector<16xi32>,
          %mul3A_113 = vector.broadcast %select_n3A_92 : i32 to vector<16xi32>
          %mul3A_114 = arith.muli %get3A_112, %mul3A_113 : vector<16xi32>
          %add3A_115 = vector.broadcast %select_n3A_103 : i32 to vector<16xi32>
          %add3A_116 = arith.addi %mul3A_114, %add3A_115 : vector<16xi32>
          %swap3A_117 = arith.index_cast %rem3A_84 : i32 to index
          %swap3A_118 = arith.constant 16 : index
          %swap3A_119 = tpu.vector_load %arg17[%swap3A_117, %swap3A_118] {strides = array<i32>} : memref<6x128xi32, #tpu.memory_space<vmem>>, vector<16xi32>,
          tpu.vector_store %arg17[%swap3A_117, %swap3A_118], %add3A_116 {strides = array<i32>} : memref<6x128xi32, #tpu.memory_space<vmem>>, vector<16xi32>,
          %get3A_120 = arith.constant 32 : index
          %get3A_121 = tpu.vector_load %arg16[%get3A_120] {strides = array<i32>} : memref<128xi32, #tpu.memory_space<vmem>>, vector<16xi32>,
          %mul3A_122 = vector.broadcast %select_n3A_92 : i32 to vector<16xi32>
          %mul3A_123 = arith.muli %get3A_121, %mul3A_122 : vector<16xi32>
          %add3A_124 = vector.broadcast %select_n3A_103 : i32 to vector<16xi32>
          %add3A_125 = arith.addi %mul3A_123, %add3A_124 : vector<16xi32>
          %swap3A_126 = arith.index_cast %rem3A_84 : i32 to index
          %swap3A_127 = arith.constant 32 : index
          %swap3A_128 = tpu.vector_load %arg17[%swap3A_126, %swap3A_127] {strides = array<i32>} : memref<6x128xi32, #tpu.memory_space<vmem>>, vector<16xi32>,
          tpu.vector_store %arg17[%swap3A_126, %swap3A_127], %add3A_125 {strides = array<i32>} : memref<6x128xi32, #tpu.memory_space<vmem>>, vector<16xi32>,
          %get3A_129 = arith.constant 48 : index
          %get3A_130 = tpu.vector_load %arg16[%get3A_129] {strides = array<i32>} : memref<128xi32, #tpu.memory_space<vmem>>, vector<16xi32>,
          %mul3A_131 = vector.broadcast %select_n3A_92 : i32 to vector<16xi32>
          %mul3A_132 = arith.muli %get3A_130, %mul3A_131 : vector<16xi32>
          %add3A_133 = vector.broadcast %select_n3A_103 : i32 to vector<16xi32>
          %add3A_134 = arith.addi %mul3A_132, %add3A_133 : vector<16xi32>
          %swap3A_135 = arith.index_cast %rem3A_84 : i32 to index
          %swap3A_136 = arith.constant 48 : index
          %swap3A_137 = tpu.vector_load %arg17[%swap3A_135, %swap3A_136] {strides = array<i32>} : memref<6x128xi32, #tpu.memory_space<vmem>>, vector<16xi32>,
          tpu.vector_store %arg17[%swap3A_135, %swap3A_136], %add3A_134 {strides = array<i32>} : memref<6x128xi32, #tpu.memory_space<vmem>>, vector<16xi32>,
          %get3A_138 = arith.constant 64 : index
          %get3A_139 = tpu.vector_load %arg16[%get3A_138] {strides = array<i32>} : memref<128xi32, #tpu.memory_space<vmem>>, vector<16xi32>,
          %mul3A_140 = vector.broadcast %select_n3A_92 : i32 to vector<16xi32>
          %mul3A_141 = arith.muli %get3A_139, %mul3A_140 : vector<16xi32>
          %add3A_142 = vector.broadcast %select_n3A_103 : i32 to vector<16xi32>
          %add3A_143 = arith.addi %mul3A_141, %add3A_142 : vector<16xi32>
          %swap3A_144 = arith.index_cast %rem3A_84 : i32 to index
          %swap3A_145 = arith.constant 64 : index
          %swap3A_146 = tpu.vector_load %arg17[%swap3A_144, %swap3A_145] {strides = array<i32>} : memref<6x128xi32, #tpu.memory_space<vmem>>, vector<16xi32>,
          tpu.vector_store %arg17[%swap3A_144, %swap3A_145], %add3A_143 {strides = array<i32>} : memref<6x128xi32, #tpu.memory_space<vmem>>, vector<16xi32>,
          %get3A_147 = arith.constant 80 : index
          %get3A_148 = tpu.vector_load %arg16[%get3A_147] {strides = array<i32>} : memref<128xi32, #tpu.memory_space<vmem>>, vector<16xi32>,
          %mul3A_149 = vector.broadcast %select_n3A_92 : i32 to vector<16xi32>
          %mul3A_150 = arith.muli %get3A_148, %mul3A_149 : vector<16xi32>
          %add3A_151 = vector.broadcast %select_n3A_103 : i32 to vector<16xi32>
          %add3A_152 = arith.addi %mul3A_150, %add3A_151 : vector<16xi32>
          %swap3A_153 = arith.index_cast %rem3A_84 : i32 to index
          %swap3A_154 = arith.constant 80 : index
          %swap3A_155 = tpu.vector_load %arg17[%swap3A_153, %swap3A_154] {strides = array<i32>} : memref<6x128xi32, #tpu.memory_space<vmem>>, vector<16xi32>,
          tpu.vector_store %arg17[%swap3A_153, %swap3A_154], %add3A_152 {strides = array<i32>} : memref<6x128xi32, #tpu.memory_space<vmem>>, vector<16xi32>,
          %get3A_156 = arith.constant 96 : index
          %get3A_157 = tpu.vector_load %arg16[%get3A_156] {strides = array<i32>} : memref<128xi32, #tpu.memory_space<vmem>>, vector<16xi32>,
          %mul3A_158 = vector.broadcast %select_n3A_92 : i32 to vector<16xi32>
          %mul3A_159 = arith.muli %get3A_157, %mul3A_158 : vector<16xi32>
          %add3A_160 = vector.broadcast %select_n3A_103 : i32 to vector<16xi32>
          %add3A_161 = arith.addi %mul3A_159, %add3A_160 : vector<16xi32>
          %swap3A_162 = arith.index_cast %rem3A_84 : i32 to index
          %swap3A_163 = arith.constant 96 : index
          %swap3A_164 = tpu.vector_load %arg17[%swap3A_162, %swap3A_163] {strides = array<i32>} : memref<6x128xi32, #tpu.memory_space<vmem>>, vector<16xi32>,
          tpu.vector_store %arg17[%swap3A_162, %swap3A_163], %add3A_161 {strides = array<i32>} : memref<6x128xi32, #tpu.memory_space<vmem>>, vector<16xi32>,
          %get3A_165 = arith.constant 112 : index
          %get3A_166 = tpu.vector_load %arg16[%get3A_165] {strides = array<i32>} : memref<128xi32, #tpu.memory_space<vmem>>, vector<16xi32>,
          %mul3A_167 = vector.broadcast %select_n3A_92 : i32 to vector<16xi32>
          %mul3A_168 = arith.muli %get3A_166, %mul3A_167 : vector<16xi32>
          %add3A_169 = vector.broadcast %select_n3A_103 : i32 to vector<16xi32>
          %add3A_170 = arith.addi %mul3A_168, %add3A_169 : vector<16xi32>
          %swap3A_171 = arith.index_cast %rem3A_84 : i32 to index
          %swap3A_172 = arith.constant 112 : index
          %swap3A_173 = tpu.vector_load %arg17[%swap3A_171, %swap3A_172] {strides = array<i32>} : memref<6x128xi32, #tpu.memory_space<vmem>>, vector<16xi32>,
          tpu.vector_store %arg17[%swap3A_171, %swap3A_172], %add3A_170 {strides = array<i32>} : memref<6x128xi32, #tpu.memory_space<vmem>>, vector<16xi32>,
          %eq3A_174 = arith.constant 0 : i32
          %eq3A_175 = arith.cmpi eq, %scan3A_58, %eq3A_174 : i32
          %convert_element_type3A_176 = arith.extui %eq3A_175 : i1 to i32
          %cond3A_177 = arith.constant 0 : i32
          %cond3A_178 = arith.cmpi ne, %convert_element_type3A_176, %cond3A_177 : i32
          scf.if %cond3A_178 {
            %dma_start3A = arith.constant 0 : i32
            %dma_start3A_192 = arith.constant 0 : i32
            %dma_start3A_193 = tpu.memref_slice %arg18[%rem3A_84, %dma_start3A, %dma_start3A_192] : memref<6x128x128xf32, #tpu.memory_space<vmem>> -> memref<1x128x128xf32, #tpu.memory_space<vmem>>
            %dma_start3A_194 = tpu.memref_squeeze %dma_start3A_193 : memref<1x128x128xf32, #tpu.memory_space<vmem>> -> memref<128x128xf32, #tpu.memory_space<vmem>>
            %dma_start3A_195 = arith.constant 0 : i32
            %dma_start3A_196 = tpu.memref_slice %arg17[%rem3A_84, %dma_start3A_195] : memref<6x128xi32, #tpu.memory_space<vmem>> -> memref<1x128xi32, #tpu.memory_space<vmem>>
            %dma_start3A_197 = tpu.memref_squeeze %dma_start3A_196 : memref<1x128xi32, #tpu.memory_space<vmem>> -> memref<128xi32, #tpu.memory_space<vmem>>
            %dma_start3A_198 = arith.constant 0 : i32
            %dma_start3A_199 = arith.constant 0 : i32
            %dma_start3A_200 = tpu.memref_slice %arg9[%dma_start3A_198, %dma_start3A_199] : memref<10000x128xf32, #tpu.memory_space<hbm>> -> memref<10000x128xf32, #tpu.memory_space<hbm>>
            %dma_start3A_201 = tpu.memref_slice %arg19[%rem3A_84] : memref<6x!tpu.dma_semaphore, #tpu.memory_space<semaphore_mem>> -> memref<1x!tpu.dma_semaphore, #tpu.memory_space<semaphore_mem>>
            %dma_start3A_202 = tpu.memref_squeeze %dma_start3A_201 : memref<1x!tpu.dma_semaphore, #tpu.memory_space<semaphore_mem>> -> memref<!tpu.dma_semaphore, #tpu.memory_space<semaphore_mem>>
            tpu.enqueue_indirect_dma source(%dma_start3A_200 : memref<10000x128xf32, #tpu.memory_space<hbm>>) target(%dma_start3A_194 : memref<128x128xf32, #tpu.memory_space<vmem>>) offsets(%dma_start3A_197 : memref<128xi32, #tpu.memory_space<vmem>>) semaphore(%dma_start3A_202 : memref<!tpu.dma_semaphore, #tpu.memory_space<semaphore_mem>>)
          } else {
          }
          %ge3A_179 = arith.constant 1 : i32
          %ge3A_180 = arith.cmpi sge, %scan3A_58, %ge3A_179 : i32
          %lt3A_181 = arith.constant 17 : i32
          %lt3A_182 = arith.cmpi slt, %scan3A_58, %lt3A_181 : i32
          %and3A_183 = arith.andi %ge3A_180, %lt3A_182 : i1
          %convert_element_type3A_184 = arith.extui %and3A_183 : i1 to i32
          %cond3A_185 = arith.constant 0 : i32
          %cond3A_186 = arith.cmpi ne, %convert_element_type3A_184, %cond3A_185 : i32
          scf.if %cond3A_186 {
            %dma_start3A = arith.constant 0 : i32
            %dma_start3A_192 = arith.constant 0 : i32
            %dma_start3A_193 = tpu.memref_slice %arg18[%rem3A_84, %dma_start3A, %dma_start3A_192] : memref<6x128x128xf32, #tpu.memory_space<vmem>> -> memref<1x128x128xf32, #tpu.memory_space<vmem>>
            %dma_start3A_194 = tpu.memref_squeeze %dma_start3A_193 : memref<1x128x128xf32, #tpu.memory_space<vmem>> -> memref<128x128xf32, #tpu.memory_space<vmem>>
            %dma_start3A_195 = arith.constant 0 : i32
            %dma_start3A_196 = tpu.memref_slice %arg17[%rem3A_84, %dma_start3A_195] : memref<6x128xi32, #tpu.memory_space<vmem>> -> memref<1x128xi32, #tpu.memory_space<vmem>>
            %dma_start3A_197 = tpu.memref_squeeze %dma_start3A_196 : memref<1x128xi32, #tpu.memory_space<vmem>> -> memref<128xi32, #tpu.memory_space<vmem>>
            %dma_start3A_198 = arith.constant 0 : i32
            %dma_start3A_199 = arith.constant 0 : i32
            %dma_start3A_200 = tpu.memref_slice %arg10[%dma_start3A_198, %dma_start3A_199] : memref<160000x128xf32, #tpu.memory_space<hbm>> -> memref<160000x128xf32, #tpu.memory_space<hbm>>
            %dma_start3A_201 = tpu.memref_slice %arg19[%rem3A_84] : memref<6x!tpu.dma_semaphore, #tpu.memory_space<semaphore_mem>> -> memref<1x!tpu.dma_semaphore, #tpu.memory_space<semaphore_mem>>
            %dma_start3A_202 = tpu.memref_squeeze %dma_start3A_201 : memref<1x!tpu.dma_semaphore, #tpu.memory_space<semaphore_mem>> -> memref<!tpu.dma_semaphore, #tpu.memory_space<semaphore_mem>>
            tpu.enqueue_indirect_dma source(%dma_start3A_200 : memref<160000x128xf32, #tpu.memory_space<hbm>>) target(%dma_start3A_194 : memref<128x128xf32, #tpu.memory_space<vmem>>) offsets(%dma_start3A_197 : memref<128xi32, #tpu.memory_space<vmem>>) semaphore(%dma_start3A_202 : memref<!tpu.dma_semaphore, #tpu.memory_space<semaphore_mem>>)
          } else {
          }
          %ge3A_187 = arith.constant 17 : i32
          %ge3A_188 = arith.cmpi sge, %scan3A_58, %ge3A_187 : i32
          %convert_element_type3A_189 = arith.extui %ge3A_188 : i1 to i32
          %cond3A_190 = arith.constant 0 : i32
          %cond3A_191 = arith.cmpi ne, %convert_element_type3A_189, %cond3A_190 : i32
          scf.if %cond3A_191 {
            %dma_start3A = arith.constant 0 : i32
            %dma_start3A_192 = arith.constant 0 : i32
            %dma_start3A_193 = tpu.memref_slice %arg18[%rem3A_84, %dma_start3A, %dma_start3A_192] : memref<6x128x128xf32, #tpu.memory_space<vmem>> -> memref<1x128x128xf32, #tpu.memory_space<vmem>>
            %dma_start3A_194 = tpu.memref_squeeze %dma_start3A_193 : memref<1x128x128xf32, #tpu.memory_space<vmem>> -> memref<128x128xf32, #tpu.memory_space<vmem>>
            %dma_start3A_195 = arith.constant 0 : i32
            %dma_start3A_196 = tpu.memref_slice %arg17[%rem3A_84, %dma_start3A_195] : memref<6x128xi32, #tpu.memory_space<vmem>> -> memref<1x128xi32, #tpu.memory_space<vmem>>
            %dma_start3A_197 = tpu.memref_squeeze %dma_start3A_196 : memref<1x128xi32, #tpu.memory_space<vmem>> -> memref<128xi32, #tpu.memory_space<vmem>>
            %dma_start3A_198 = arith.constant 0 : i32
            %dma_start3A_199 = arith.constant 0 : i32
            %dma_start3A_200 = tpu.memref_slice %arg11[%dma_start3A_198, %dma_start3A_199] : memref<600000x128xf32, #tpu.memory_space<hbm>> -> memref<600000x128xf32, #tpu.memory_space<hbm>>
            %dma_start3A_201 = tpu.memref_slice %arg19[%rem3A_84] : memref<6x!tpu.dma_semaphore, #tpu.memory_space<semaphore_mem>> -> memref<1x!tpu.dma_semaphore, #tpu.memory_space<semaphore_mem>>
            %dma_start3A_202 = tpu.memref_squeeze %dma_start3A_201 : memref<1x!tpu.dma_semaphore, #tpu.memory_space<semaphore_mem>> -> memref<!tpu.dma_semaphore, #tpu.memory_space<semaphore_mem>>
            tpu.enqueue_indirect_dma source(%dma_start3A_200 : memref<600000x128xf32, #tpu.memory_space<hbm>>) target(%dma_start3A_194 : memref<128x128xf32, #tpu.memory_space<vmem>>) offsets(%dma_start3A_197 : memref<128xi32, #tpu.memory_space<vmem>>) semaphore(%dma_start3A_202 : memref<!tpu.dma_semaphore, #tpu.memory_space<semaphore_mem>>)
          } else {
          }
        } else {
        }
      }
      %scan3A_57 = arith.constant 83 : i32
    } else {
    }
    %eq3A_48 = arith.constant 3 : i32
    %eq3A_49 = arith.cmpi eq, %select_n3A, %eq3A_48 : i32
    %convert_element_type3A_50 = arith.extui %eq3A_49 : i1 to i32
    %cond3A_51 = arith.constant 0 : i32
    %cond3A_52 = arith.cmpi ne, %convert_element_type3A_50, %cond3A_51 : i32
    scf.if %cond3A_52 {
      %scan3A = arith.constant 0 : i32
      %scan3A_53 = arith.constant 0 : i32
      %scan3A_54 = arith.constant 83 : i32
      %scan3A_55 = arith.addi %scan3A_53, %scan3A_54 : i32
      %scan3A_56 = arith.constant 1 : i32
      scf.for %scan3A_58 = %scan3A_53 to %scan3A_55 step %scan3A_56  : i32 {
        %ge3A = arith.constant 6 : i32
        %ge3A_59 = arith.cmpi sge, %scan3A_58, %ge3A : i32
        %sub3A_60 = arith.constant 6 : i32
        %sub3A_61 = arith.subi %scan3A_58, %sub3A_60 : i32
        %lt3A_62 = arith.constant 77 : i32
        %lt3A_63 = arith.cmpi slt, %sub3A_61, %lt3A_62 : i32
        %and3A_64 = arith.andi %ge3A_59, %lt3A_63 : i1
        %convert_element_type3A_65 = arith.extui %and3A_64 : i1 to i32
        %cond3A_66 = arith.constant 0 : i32
        %cond3A_67 = arith.cmpi ne, %convert_element_type3A_65, %cond3A_66 : i32
        scf.if %cond3A_67 {
          %rem3A_83 = arith.constant 6 : i32
          %rem3A_84 = arith.remsi %scan3A_58, %rem3A_83 : i32
          %sub3A_85 = arith.constant 6 : i32
          %sub3A_86 = arith.subi %scan3A_58, %sub3A_85 : i32
          %dma_wait3A = arith.constant 0 : i32
          %dma_wait3A_87 = arith.constant 0 : i32
          %dma_wait3A_88 = tpu.memref_slice %arg18[%rem3A_84, %dma_wait3A, %dma_wait3A_87] : memref<6x128x128xf32, #tpu.memory_space<vmem>> -> memref<1x128x128xf32, #tpu.memory_space<vmem>>
          %dma_wait3A_89 = tpu.memref_squeeze %dma_wait3A_88 : memref<1x128x128xf32, #tpu.memory_space<vmem>> -> memref<128x128xf32, #tpu.memory_space<vmem>>
          %dma_wait3A_90 = arith.constant 0 : i32
          %dma_wait3A_91 = tpu.memref_slice %arg15[%sub3A_86, %mul3A_34, %dma_wait3A_90] : memref<77x4096x128xf32, #tpu.memory_space<hbm>> -> memref<1x128x128xf32, #tpu.memory_space<hbm>>
          %dma_wait3A_92 = tpu.memref_squeeze %dma_wait3A_91 : memref<1x128x128xf32, #tpu.memory_space<hbm>> -> memref<128x128xf32, #tpu.memory_space<hbm>>
          %dma_wait3A_93 = tpu.memref_slice %arg20[%rem3A_84] : memref<6x!tpu.dma_semaphore, #tpu.memory_space<semaphore_mem>> -> memref<1x!tpu.dma_semaphore, #tpu.memory_space<semaphore_mem>>
          %dma_wait3A_94 = tpu.memref_squeeze %dma_wait3A_93 : memref<1x!tpu.dma_semaphore, #tpu.memory_space<semaphore_mem>> -> memref<!tpu.dma_semaphore, #tpu.memory_space<semaphore_mem>>
          %dma_wait3A_95 = arith.constant 0 : i32
          %dma_wait3A_96 = tpu.memref_slice %arg15[%sub3A_86, %mul3A_34, %dma_wait3A_95] : memref<77x4096x128xf32, #tpu.memory_space<hbm>> -> memref<1x128x128xf32, #tpu.memory_space<hbm>>
          %dma_wait3A_97 = tpu.memref_squeeze %dma_wait3A_96 : memref<1x128x128xf32, #tpu.memory_space<hbm>> -> memref<128x128xf32, #tpu.memory_space<hbm>>
          %dma_wait3A_98 = arith.constant 0 : i32
          %dma_wait3A_99 = arith.constant 0 : i32
          %dma_wait3A_100 = tpu.memref_slice %arg18[%rem3A_84, %dma_wait3A_98, %dma_wait3A_99] : memref<6x128x128xf32, #tpu.memory_space<vmem>> -> memref<1x128x128xf32, #tpu.memory_space<vmem>>
          %dma_wait3A_101 = tpu.memref_squeeze %dma_wait3A_100 : memref<1x128x128xf32, #tpu.memory_space<vmem>> -> memref<128x128xf32, #tpu.memory_space<vmem>>
          tpu.wait_dma2 semaphore(%dma_wait3A_94 : memref<!tpu.dma_semaphore, #tpu.memory_space<semaphore_mem>>) src(%dma_wait3A_101 : memref<128x128xf32, #tpu.memory_space<vmem>>) dst(%dma_wait3A_97 : memref<128x128xf32, #tpu.memory_space<hbm>>)
        } else {
        }
        %ge3A_68 = arith.constant 3 : i32
        %ge3A_69 = arith.cmpi sge, %scan3A_58, %ge3A_68 : i32
        %sub3A_70 = arith.constant 3 : i32
        %sub3A_71 = arith.subi %scan3A_58, %sub3A_70 : i32
        %lt3A_72 = arith.constant 77 : i32
        %lt3A_73 = arith.cmpi slt, %sub3A_71, %lt3A_72 : i32
        %and3A_74 = arith.andi %ge3A_69, %lt3A_73 : i1
        %convert_element_type3A_75 = arith.extui %and3A_74 : i1 to i32
        %cond3A_76 = arith.constant 0 : i32
        %cond3A_77 = arith.cmpi ne, %convert_element_type3A_75, %cond3A_76 : i32
        scf.if %cond3A_77 {
          %sub3A_83 = arith.constant 3 : i32
          %sub3A_84 = arith.subi %scan3A_58, %sub3A_83 : i32
          %rem3A_85 = arith.constant 6 : i32
          %rem3A_86 = arith.remsi %sub3A_84, %rem3A_85 : i32
          %dma_wait3A = arith.constant 0 : i32
          %dma_wait3A_87 = arith.constant 0 : i32
          %dma_wait3A_88 = tpu.memref_slice %arg18[%rem3A_86, %dma_wait3A, %dma_wait3A_87] : memref<6x128x128xf32, #tpu.memory_space<vmem>> -> memref<1x128x128xf32, #tpu.memory_space<vmem>>
          %dma_wait3A_89 = tpu.memref_squeeze %dma_wait3A_88 : memref<1x128x128xf32, #tpu.memory_space<vmem>> -> memref<128x128xf32, #tpu.memory_space<vmem>>
          %dma_wait3A_90 = arith.constant 0 : i32
          %dma_wait3A_91 = arith.constant 0 : i32
          %dma_wait3A_92 = tpu.memref_slice %arg12[%dma_wait3A_90, %dma_wait3A_91] : memref<10000x128xf32, #tpu.memory_space<hbm>> -> memref<128x128xf32, #tpu.memory_space<hbm>>
          %dma_wait3A_93 = tpu.memref_slice %arg19[%rem3A_86] : memref<6x!tpu.dma_semaphore, #tpu.memory_space<semaphore_mem>> -> memref<1x!tpu.dma_semaphore, #tpu.memory_space<semaphore_mem>>
          %dma_wait3A_94 = tpu.memref_squeeze %dma_wait3A_93 : memref<1x!tpu.dma_semaphore, #tpu.memory_space<semaphore_mem>> -> memref<!tpu.dma_semaphore, #tpu.memory_space<semaphore_mem>>
          %dma_wait3A_95 = arith.constant 0 : i32
          %dma_wait3A_96 = arith.constant 0 : i32
          %dma_wait3A_97 = tpu.memref_slice %arg18[%rem3A_86, %dma_wait3A_95, %dma_wait3A_96] : memref<6x128x128xf32, #tpu.memory_space<vmem>> -> memref<1x128x128xf32, #tpu.memory_space<vmem>>
          %dma_wait3A_98 = tpu.memref_squeeze %dma_wait3A_97 : memref<1x128x128xf32, #tpu.memory_space<vmem>> -> memref<128x128xf32, #tpu.memory_space<vmem>>
          %dma_wait3A_99 = arith.constant 0 : i32
          %dma_wait3A_100 = arith.constant 0 : i32
          %dma_wait3A_101 = tpu.memref_slice %arg12[%dma_wait3A_99, %dma_wait3A_100] : memref<10000x128xf32, #tpu.memory_space<hbm>> -> memref<128x128xf32, #tpu.memory_space<hbm>>
          tpu.wait_dma2 semaphore(%dma_wait3A_94 : memref<!tpu.dma_semaphore, #tpu.memory_space<semaphore_mem>>) src(%dma_wait3A_101 : memref<128x128xf32, #tpu.memory_space<hbm>>) dst(%dma_wait3A_98 : memref<128x128xf32, #tpu.memory_space<vmem>>)
          %sub3A_102 = arith.constant 3 : i32
          %sub3A_103 = arith.subi %scan3A_58, %sub3A_102 : i32
          %dma_start3A = arith.constant 0 : i32
          %dma_start3A_104 = arith.constant 0 : i32
          %dma_start3A_105 = tpu.memref_slice %arg18[%rem3A_86, %dma_start3A, %dma_start3A_104] : memref<6x128x128xf32, #tpu.memory_space<vmem>> -> memref<1x128x128xf32, #tpu.memory_space<vmem>>
          %dma_start3A_106 = tpu.memref_squeeze %dma_start3A_105 : memref<1x128x128xf32, #tpu.memory_space<vmem>> -> memref<128x128xf32, #tpu.memory_space<vmem>>
          %dma_start3A_107 = arith.constant 0 : i32
          %dma_start3A_108 = tpu.memref_slice %arg15[%sub3A_103, %mul3A_34, %dma_start3A_107] : memref<77x4096x128xf32, #tpu.memory_space<hbm>> -> memref<1x128x128xf32, #tpu.memory_space<hbm>>
          %dma_start3A_109 = tpu.memref_squeeze %dma_start3A_108 : memref<1x128x128xf32, #tpu.memory_space<hbm>> -> memref<128x128xf32, #tpu.memory_space<hbm>>
          %dma_start3A_110 = tpu.memref_slice %arg20[%rem3A_86] : memref<6x!tpu.dma_semaphore, #tpu.memory_space<semaphore_mem>> -> memref<1x!tpu.dma_semaphore, #tpu.memory_space<semaphore_mem>>
          %dma_start3A_111 = tpu.memref_squeeze %dma_start3A_110 : memref<1x!tpu.dma_semaphore, #tpu.memory_space<semaphore_mem>> -> memref<!tpu.dma_semaphore, #tpu.memory_space<semaphore_mem>>
          %dma_start3A_112 = arith.constant 0 : i32
          %dma_start3A_113 = tpu.memref_slice %arg15[%sub3A_103, %mul3A_34, %dma_start3A_112] : memref<77x4096x128xf32, #tpu.memory_space<hbm>> -> memref<1x128x128xf32, #tpu.memory_space<hbm>>
          %dma_start3A_114 = tpu.memref_squeeze %dma_start3A_113 : memref<1x128x128xf32, #tpu.memory_space<hbm>> -> memref<128x128xf32, #tpu.memory_space<hbm>>
          %dma_start3A_115 = arith.constant 0 : i32
          %dma_start3A_116 = arith.constant 0 : i32
          %dma_start3A_117 = tpu.memref_slice %arg18[%rem3A_86, %dma_start3A_115, %dma_start3A_116] : memref<6x128x128xf32, #tpu.memory_space<vmem>> -> memref<1x128x128xf32, #tpu.memory_space<vmem>>
          %dma_start3A_118 = tpu.memref_squeeze %dma_start3A_117 : memref<1x128x128xf32, #tpu.memory_space<vmem>> -> memref<128x128xf32, #tpu.memory_space<vmem>>
          tpu.enqueue_dma source(%dma_start3A_118 : memref<128x128xf32, #tpu.memory_space<vmem>>) target(%dma_start3A_114 : memref<128x128xf32, #tpu.memory_space<hbm>>) target_semaphore(%dma_start3A_111 : memref<!tpu.dma_semaphore, #tpu.memory_space<semaphore_mem>>)
        } else {
        }
        %lt3A_78 = arith.constant 77 : i32
        %lt3A_79 = arith.cmpi slt, %scan3A_58, %lt3A_78 : i32
        %convert_element_type3A_80 = arith.extui %lt3A_79 : i1 to i32
        %cond3A_81 = arith.constant 0 : i32
        %cond3A_82 = arith.cmpi ne, %convert_element_type3A_80, %cond3A_81 : i32
        scf.if %cond3A_82 {
          %rem3A_83 = arith.constant 6 : i32
          %rem3A_84 = arith.remsi %scan3A_58, %rem3A_83 : i32
          %ge3A_85 = arith.constant 1 : i32
          %ge3A_86 = arith.cmpi sge, %scan3A_58, %ge3A_85 : i32
          %lt3A_87 = arith.constant 17 : i32
          %lt3A_88 = arith.cmpi slt, %scan3A_58, %lt3A_87 : i32
          %and3A_89 = arith.andi %ge3A_86, %lt3A_88 : i1
          %jit3A_90 = arith.constant 16 : i32
          %jit3A_91 = arith.constant 1 : i32
          %select_n3A_92 = arith.select %and3A_89, %jit3A_90, %jit3A_91 : i32
          %eq3A_93 = arith.constant 0 : i32
          %eq3A_94 = arith.cmpi eq, %scan3A_58, %eq3A_93 : i32
          %sub3A_95 = arith.constant 1 : i32
          %sub3A_96 = arith.subi %scan3A_58, %sub3A_95 : i32
          %sub3A_97 = arith.constant 17 : i32
          %sub3A_98 = arith.subi %scan3A_58, %sub3A_97 : i32
          %mul3A_99 = arith.constant 10000 : i32
          %mul3A_100 = arith.muli %sub3A_98, %mul3A_99 : i32
          %select_n3A_101 = arith.select %and3A_89, %sub3A_96, %mul3A_100 : i32
          %jit3A_102 = arith.constant 0 : i32
          %select_n3A_103 = arith.select %eq3A_94, %jit3A_102, %select_n3A_101 : i32
          %get3A = arith.constant 0 : index
          %get3A_104 = tpu.vector_load %arg16[%get3A] {strides = array<i32>} : memref<128xi32, #tpu.memory_space<vmem>>, vector<16xi32>,
          %mul3A_105 = vector.broadcast %select_n3A_92 : i32 to vector<16xi32>
          %mul3A_106 = arith.muli %get3A_104, %mul3A_105 : vector<16xi32>
          %add3A_107 = vector.broadcast %select_n3A_103 : i32 to vector<16xi32>
          %add3A_108 = arith.addi %mul3A_106, %add3A_107 : vector<16xi32>
          %swap3A = arith.index_cast %rem3A_84 : i32 to index
          %swap3A_109 = arith.constant 0 : index
          %swap3A_110 = tpu.vector_load %arg17[%swap3A, %swap3A_109] {strides = array<i32>} : memref<6x128xi32, #tpu.memory_space<vmem>>, vector<16xi32>,
          tpu.vector_store %arg17[%swap3A, %swap3A_109], %add3A_108 {strides = array<i32>} : memref<6x128xi32, #tpu.memory_space<vmem>>, vector<16xi32>,
          %get3A_111 = arith.constant 16 : index
          %get3A_112 = tpu.vector_load %arg16[%get3A_111] {strides = array<i32>} : memref<128xi32, #tpu.memory_space<vmem>>, vector<16xi32>,
          %mul3A_113 = vector.broadcast %select_n3A_92 : i32 to vector<16xi32>
          %mul3A_114 = arith.muli %get3A_112, %mul3A_113 : vector<16xi32>
          %add3A_115 = vector.broadcast %select_n3A_103 : i32 to vector<16xi32>
          %add3A_116 = arith.addi %mul3A_114, %add3A_115 : vector<16xi32>
          %swap3A_117 = arith.index_cast %rem3A_84 : i32 to index
          %swap3A_118 = arith.constant 16 : index
          %swap3A_119 = tpu.vector_load %arg17[%swap3A_117, %swap3A_118] {strides = array<i32>} : memref<6x128xi32, #tpu.memory_space<vmem>>, vector<16xi32>,
          tpu.vector_store %arg17[%swap3A_117, %swap3A_118], %add3A_116 {strides = array<i32>} : memref<6x128xi32, #tpu.memory_space<vmem>>, vector<16xi32>,
          %get3A_120 = arith.constant 32 : index
          %get3A_121 = tpu.vector_load %arg16[%get3A_120] {strides = array<i32>} : memref<128xi32, #tpu.memory_space<vmem>>, vector<16xi32>,
          %mul3A_122 = vector.broadcast %select_n3A_92 : i32 to vector<16xi32>
          %mul3A_123 = arith.muli %get3A_121, %mul3A_122 : vector<16xi32>
          %add3A_124 = vector.broadcast %select_n3A_103 : i32 to vector<16xi32>
          %add3A_125 = arith.addi %mul3A_123, %add3A_124 : vector<16xi32>
          %swap3A_126 = arith.index_cast %rem3A_84 : i32 to index
          %swap3A_127 = arith.constant 32 : index
          %swap3A_128 = tpu.vector_load %arg17[%swap3A_126, %swap3A_127] {strides = array<i32>} : memref<6x128xi32, #tpu.memory_space<vmem>>, vector<16xi32>,
          tpu.vector_store %arg17[%swap3A_126, %swap3A_127], %add3A_125 {strides = array<i32>} : memref<6x128xi32, #tpu.memory_space<vmem>>, vector<16xi32>,
          %get3A_129 = arith.constant 48 : index
          %get3A_130 = tpu.vector_load %arg16[%get3A_129] {strides = array<i32>} : memref<128xi32, #tpu.memory_space<vmem>>, vector<16xi32>,
          %mul3A_131 = vector.broadcast %select_n3A_92 : i32 to vector<16xi32>
          %mul3A_132 = arith.muli %get3A_130, %mul3A_131 : vector<16xi32>
          %add3A_133 = vector.broadcast %select_n3A_103 : i32 to vector<16xi32>
          %add3A_134 = arith.addi %mul3A_132, %add3A_133 : vector<16xi32>
          %swap3A_135 = arith.index_cast %rem3A_84 : i32 to index
          %swap3A_136 = arith.constant 48 : index
          %swap3A_137 = tpu.vector_load %arg17[%swap3A_135, %swap3A_136] {strides = array<i32>} : memref<6x128xi32, #tpu.memory_space<vmem>>, vector<16xi32>,
          tpu.vector_store %arg17[%swap3A_135, %swap3A_136], %add3A_134 {strides = array<i32>} : memref<6x128xi32, #tpu.memory_space<vmem>>, vector<16xi32>,
          %get3A_138 = arith.constant 64 : index
          %get3A_139 = tpu.vector_load %arg16[%get3A_138] {strides = array<i32>} : memref<128xi32, #tpu.memory_space<vmem>>, vector<16xi32>,
          %mul3A_140 = vector.broadcast %select_n3A_92 : i32 to vector<16xi32>
          %mul3A_141 = arith.muli %get3A_139, %mul3A_140 : vector<16xi32>
          %add3A_142 = vector.broadcast %select_n3A_103 : i32 to vector<16xi32>
          %add3A_143 = arith.addi %mul3A_141, %add3A_142 : vector<16xi32>
          %swap3A_144 = arith.index_cast %rem3A_84 : i32 to index
          %swap3A_145 = arith.constant 64 : index
          %swap3A_146 = tpu.vector_load %arg17[%swap3A_144, %swap3A_145] {strides = array<i32>} : memref<6x128xi32, #tpu.memory_space<vmem>>, vector<16xi32>,
          tpu.vector_store %arg17[%swap3A_144, %swap3A_145], %add3A_143 {strides = array<i32>} : memref<6x128xi32, #tpu.memory_space<vmem>>, vector<16xi32>,
          %get3A_147 = arith.constant 80 : index
          %get3A_148 = tpu.vector_load %arg16[%get3A_147] {strides = array<i32>} : memref<128xi32, #tpu.memory_space<vmem>>, vector<16xi32>,
          %mul3A_149 = vector.broadcast %select_n3A_92 : i32 to vector<16xi32>
          %mul3A_150 = arith.muli %get3A_148, %mul3A_149 : vector<16xi32>
          %add3A_151 = vector.broadcast %select_n3A_103 : i32 to vector<16xi32>
          %add3A_152 = arith.addi %mul3A_150, %add3A_151 : vector<16xi32>
          %swap3A_153 = arith.index_cast %rem3A_84 : i32 to index
          %swap3A_154 = arith.constant 80 : index
          %swap3A_155 = tpu.vector_load %arg17[%swap3A_153, %swap3A_154] {strides = array<i32>} : memref<6x128xi32, #tpu.memory_space<vmem>>, vector<16xi32>,
          tpu.vector_store %arg17[%swap3A_153, %swap3A_154], %add3A_152 {strides = array<i32>} : memref<6x128xi32, #tpu.memory_space<vmem>>, vector<16xi32>,
          %get3A_156 = arith.constant 96 : index
          %get3A_157 = tpu.vector_load %arg16[%get3A_156] {strides = array<i32>} : memref<128xi32, #tpu.memory_space<vmem>>, vector<16xi32>,
          %mul3A_158 = vector.broadcast %select_n3A_92 : i32 to vector<16xi32>
          %mul3A_159 = arith.muli %get3A_157, %mul3A_158 : vector<16xi32>
          %add3A_160 = vector.broadcast %select_n3A_103 : i32 to vector<16xi32>
          %add3A_161 = arith.addi %mul3A_159, %add3A_160 : vector<16xi32>
          %swap3A_162 = arith.index_cast %rem3A_84 : i32 to index
          %swap3A_163 = arith.constant 96 : index
          %swap3A_164 = tpu.vector_load %arg17[%swap3A_162, %swap3A_163] {strides = array<i32>} : memref<6x128xi32, #tpu.memory_space<vmem>>, vector<16xi32>,
          tpu.vector_store %arg17[%swap3A_162, %swap3A_163], %add3A_161 {strides = array<i32>} : memref<6x128xi32, #tpu.memory_space<vmem>>, vector<16xi32>,
          %get3A_165 = arith.constant 112 : index
          %get3A_166 = tpu.vector_load %arg16[%get3A_165] {strides = array<i32>} : memref<128xi32, #tpu.memory_space<vmem>>, vector<16xi32>,
          %mul3A_167 = vector.broadcast %select_n3A_92 : i32 to vector<16xi32>
          %mul3A_168 = arith.muli %get3A_166, %mul3A_167 : vector<16xi32>
          %add3A_169 = vector.broadcast %select_n3A_103 : i32 to vector<16xi32>
          %add3A_170 = arith.addi %mul3A_168, %add3A_169 : vector<16xi32>
          %swap3A_171 = arith.index_cast %rem3A_84 : i32 to index
          %swap3A_172 = arith.constant 112 : index
          %swap3A_173 = tpu.vector_load %arg17[%swap3A_171, %swap3A_172] {strides = array<i32>} : memref<6x128xi32, #tpu.memory_space<vmem>>, vector<16xi32>,
          tpu.vector_store %arg17[%swap3A_171, %swap3A_172], %add3A_170 {strides = array<i32>} : memref<6x128xi32, #tpu.memory_space<vmem>>, vector<16xi32>,
          %eq3A_174 = arith.constant 0 : i32
          %eq3A_175 = arith.cmpi eq, %scan3A_58, %eq3A_174 : i32
          %convert_element_type3A_176 = arith.extui %eq3A_175 : i1 to i32
          %cond3A_177 = arith.constant 0 : i32
          %cond3A_178 = arith.cmpi ne, %convert_element_type3A_176, %cond3A_177 : i32
          scf.if %cond3A_178 {
            %dma_start3A = arith.constant 0 : i32
            %dma_start3A_192 = arith.constant 0 : i32
            %dma_start3A_193 = tpu.memref_slice %arg18[%rem3A_84, %dma_start3A, %dma_start3A_192] : memref<6x128x128xf32, #tpu.memory_space<vmem>> -> memref<1x128x128xf32, #tpu.memory_space<vmem>>
            %dma_start3A_194 = tpu.memref_squeeze %dma_start3A_193 : memref<1x128x128xf32, #tpu.memory_space<vmem>> -> memref<128x128xf32, #tpu.memory_space<vmem>>
            %dma_start3A_195 = arith.constant 0 : i32
            %dma_start3A_196 = tpu.memref_slice %arg17[%rem3A_84, %dma_start3A_195] : memref<6x128xi32, #tpu.memory_space<vmem>> -> memref<1x128xi32, #tpu.memory_space<vmem>>
            %dma_start3A_197 = tpu.memref_squeeze %dma_start3A_196 : memref<1x128xi32, #tpu.memory_space<vmem>> -> memref<128xi32, #tpu.memory_space<vmem>>
            %dma_start3A_198 = arith.constant 0 : i32
            %dma_start3A_199 = arith.constant 0 : i32
            %dma_start3A_200 = tpu.memref_slice %arg12[%dma_start3A_198, %dma_start3A_199] : memref<10000x128xf32, #tpu.memory_space<hbm>> -> memref<10000x128xf32, #tpu.memory_space<hbm>>
            %dma_start3A_201 = tpu.memref_slice %arg19[%rem3A_84] : memref<6x!tpu.dma_semaphore, #tpu.memory_space<semaphore_mem>> -> memref<1x!tpu.dma_semaphore, #tpu.memory_space<semaphore_mem>>
            %dma_start3A_202 = tpu.memref_squeeze %dma_start3A_201 : memref<1x!tpu.dma_semaphore, #tpu.memory_space<semaphore_mem>> -> memref<!tpu.dma_semaphore, #tpu.memory_space<semaphore_mem>>
            tpu.enqueue_indirect_dma source(%dma_start3A_200 : memref<10000x128xf32, #tpu.memory_space<hbm>>) target(%dma_start3A_194 : memref<128x128xf32, #tpu.memory_space<vmem>>) offsets(%dma_start3A_197 : memref<128xi32, #tpu.memory_space<vmem>>) semaphore(%dma_start3A_202 : memref<!tpu.dma_semaphore, #tpu.memory_space<semaphore_mem>>)
          } else {
          }
          %ge3A_179 = arith.constant 1 : i32
          %ge3A_180 = arith.cmpi sge, %scan3A_58, %ge3A_179 : i32
          %lt3A_181 = arith.constant 17 : i32
          %lt3A_182 = arith.cmpi slt, %scan3A_58, %lt3A_181 : i32
          %and3A_183 = arith.andi %ge3A_180, %lt3A_182 : i1
          %convert_element_type3A_184 = arith.extui %and3A_183 : i1 to i32
          %cond3A_185 = arith.constant 0 : i32
          %cond3A_186 = arith.cmpi ne, %convert_element_type3A_184, %cond3A_185 : i32
          scf.if %cond3A_186 {
            %dma_start3A = arith.constant 0 : i32
            %dma_start3A_192 = arith.constant 0 : i32
            %dma_start3A_193 = tpu.memref_slice %arg18[%rem3A_84, %dma_start3A, %dma_start3A_192] : memref<6x128x128xf32, #tpu.memory_space<vmem>> -> memref<1x128x128xf32, #tpu.memory_space<vmem>>
            %dma_start3A_194 = tpu.memref_squeeze %dma_start3A_193 : memref<1x128x128xf32, #tpu.memory_space<vmem>> -> memref<128x128xf32, #tpu.memory_space<vmem>>
            %dma_start3A_195 = arith.constant 0 : i32
            %dma_start3A_196 = tpu.memref_slice %arg17[%rem3A_84, %dma_start3A_195] : memref<6x128xi32, #tpu.memory_space<vmem>> -> memref<1x128xi32, #tpu.memory_space<vmem>>
            %dma_start3A_197 = tpu.memref_squeeze %dma_start3A_196 : memref<1x128xi32, #tpu.memory_space<vmem>> -> memref<128xi32, #tpu.memory_space<vmem>>
            %dma_start3A_198 = arith.constant 0 : i32
            %dma_start3A_199 = arith.constant 0 : i32
            %dma_start3A_200 = tpu.memref_slice %arg13[%dma_start3A_198, %dma_start3A_199] : memref<160000x128xf32, #tpu.memory_space<hbm>> -> memref<160000x128xf32, #tpu.memory_space<hbm>>
            %dma_start3A_201 = tpu.memref_slice %arg19[%rem3A_84] : memref<6x!tpu.dma_semaphore, #tpu.memory_space<semaphore_mem>> -> memref<1x!tpu.dma_semaphore, #tpu.memory_space<semaphore_mem>>
            %dma_start3A_202 = tpu.memref_squeeze %dma_start3A_201 : memref<1x!tpu.dma_semaphore, #tpu.memory_space<semaphore_mem>> -> memref<!tpu.dma_semaphore, #tpu.memory_space<semaphore_mem>>
            tpu.enqueue_indirect_dma source(%dma_start3A_200 : memref<160000x128xf32, #tpu.memory_space<hbm>>) target(%dma_start3A_194 : memref<128x128xf32, #tpu.memory_space<vmem>>) offsets(%dma_start3A_197 : memref<128xi32, #tpu.memory_space<vmem>>) semaphore(%dma_start3A_202 : memref<!tpu.dma_semaphore, #tpu.memory_space<semaphore_mem>>)
          } else {
          }
          %ge3A_187 = arith.constant 17 : i32
          %ge3A_188 = arith.cmpi sge, %scan3A_58, %ge3A_187 : i32
          %convert_element_type3A_189 = arith.extui %ge3A_188 : i1 to i32
          %cond3A_190 = arith.constant 0 : i32
          %cond3A_191 = arith.cmpi ne, %convert_element_type3A_189, %cond3A_190 : i32
          scf.if %cond3A_191 {
            %dma_start3A = arith.constant 0 : i32
            %dma_start3A_192 = arith.constant 0 : i32
            %dma_start3A_193 = tpu.memref_slice %arg18[%rem3A_84, %dma_start3A, %dma_start3A_192] : memref<6x128x128xf32, #tpu.memory_space<vmem>> -> memref<1x128x128xf32, #tpu.memory_space<vmem>>
            %dma_start3A_194 = tpu.memref_squeeze %dma_start3A_193 : memref<1x128x128xf32, #tpu.memory_space<vmem>> -> memref<128x128xf32, #tpu.memory_space<vmem>>
            %dma_start3A_195 = arith.constant 0 : i32
            %dma_start3A_196 = tpu.memref_slice %arg17[%rem3A_84, %dma_start3A_195] : memref<6x128xi32, #tpu.memory_space<vmem>> -> memref<1x128xi32, #tpu.memory_space<vmem>>
            %dma_start3A_197 = tpu.memref_squeeze %dma_start3A_196 : memref<1x128xi32, #tpu.memory_space<vmem>> -> memref<128xi32, #tpu.memory_space<vmem>>
            %dma_start3A_198 = arith.constant 0 : i32
            %dma_start3A_199 = arith.constant 0 : i32
            %dma_start3A_200 = tpu.memref_slice %arg14[%dma_start3A_198, %dma_start3A_199] : memref<600000x128xf32, #tpu.memory_space<hbm>> -> memref<600000x128xf32, #tpu.memory_space<hbm>>
            %dma_start3A_201 = tpu.memref_slice %arg19[%rem3A_84] : memref<6x!tpu.dma_semaphore, #tpu.memory_space<semaphore_mem>> -> memref<1x!tpu.dma_semaphore, #tpu.memory_space<semaphore_mem>>
            %dma_start3A_202 = tpu.memref_squeeze %dma_start3A_201 : memref<1x!tpu.dma_semaphore, #tpu.memory_space<semaphore_mem>> -> memref<!tpu.dma_semaphore, #tpu.memory_space<semaphore_mem>>
            tpu.enqueue_indirect_dma source(%dma_start3A_200 : memref<600000x128xf32, #tpu.memory_space<hbm>>) target(%dma_start3A_194 : memref<128x128xf32, #tpu.memory_space<vmem>>) offsets(%dma_start3A_197 : memref<128xi32, #tpu.memory_space<vmem>>) semaphore(%dma_start3A_202 : memref<!tpu.dma_semaphore, #tpu.memory_space<semaphore_mem>>)
          } else {
          }
        } else {
        }
      }
      %scan3A_57 = arith.constant 83 : i32
    } else {
    }
    return
  }
}

</mosaic_0001>

<sc_bundles>
// kernel: kernel.3.cloned.1.call-start
scs
__scs_entry_jumppad:
0x0: {  	(pc) =	sbr.rel $0x88, $3  }
0x1: {  	(tag) =	ssettag $0x0;
	lr =	simm.s32 $0x1  }
0x2: {  	[smem:$0x3F94] =	sst lr;
	_ =	strace $0xD0000000  }
0x3: {  	_ = 	snop  }
0x4: {  	_ = 	snop  }
0x5: {  	_ = 	snop  }
0x6: {  	_ = 	snop  }
0x7: {  	_ = 	snop  }
__scs_overlays_trampoline_lowered:
0x8: {  	[smem:$0x3FA3] =	sst s0  }
0x9: {  	[smem:$0x3FA4] =	sst s1  }
0xa: {  	[smem:$0x3FA5] =	sst s2  }
0xb: {  	[smem:$0x3FA6] =	sst s3  }
0xc: {  	[smem:$0x3FA7] =	sst s4  }
0xd: {  	[smem:$0x3FA8] =	sst s5  }
0xe: {  	[smem:$0x3FA9] =	sst s6  }
0xf: {  	[smem:$0x3FAA] =	sst s7  }
0x10: {  	[smem:$0x3FAB] =	sst s8  }
0x11: {  	[smem:$0x3FAC] =	sst s9;
	s0 =	simm.s32 @!p0 $0x0  }
0x12: {  	s1 =	sld [smem:$0x3F92];
	s0 =	simm.s32 @p0 $0x1  }
0x13: {  	[smem:$0x3FAD] =	sst s0;
	s0 =	simm.s32 @!p1 $0x0  }
0x14: {  	s2 =	sld [smem:$0x3F91];
	s0 =	simm.s32 @p1 $0x1  }
0x15: {  	[smem:$0x3FAE] =	sst s0;
	s0 =	simm.s32 @!p2 $0x0  }
0x16: {  	s3 =	sld [smem:$0x3FDB];
	s0 =	simm.s32 @p2 $0x1  }
0x17: {  	s4 =	simm.s32 $0x1BF5;
	[smem:$0x3FB0] =	sst s0  }
0x18: {  	s0 =	sld [smem:$0x3F93];
	_ =	swait.ge [sflag:s4], $0x0  }
0x19: {  	s7 =	sld [smem:$0x3F94]  }
0x1a: {  	s8 =	sadd.s32 $0xFFFFE003, lr  }
0x1b: {  	s9 =	sadd.s32 $0xFFFFFEF7, lr;
	s5 =	simm.s32 $0xFFFFFFFF;
	p2 =	slt.u32 s8, $0xFFFFF086  }
0x1c: {  	p1 =	slt.u32 s9, $0xF7A;
	s5 =	simm.s32 @!p2 $0x0  }
0x1d: {  	s5 =	simm.s32 @p1 $0x1;
	p0 =	seq.s32 s7, s2  }
0x1e: {  	s7 =	smul.u32 @!p0 $0xF7A, s2;
	p2 =	seq.s32 @!p0 s5, $0x0  }
0x1f: {  	s9 =	smul.u32 $0xF7A, s1;
	s8 =	simm.s32 @!p0 $0x1BF5;
	p2 =	por !p2, p0  }
0x20: {  	[sflag:s8] =	ssyncset.s32 @!p0 $0xFFFFF086;
	s6 =	sadd.s32 @!p0 s3, s7;
	s7 =	simm.s32 @!p0 $0x108  }
0x21: {  	s3 =	sadd.s32 s3, s9;
	s6 =	sadd.s32 @!p0 $0x88, s6;
	s7 =	simm.s32 @p2 $0x1082  }
0x22: {  	[simem:s7], [sflag:s8] =	dma.local @!p0 [hbm:s6], $0xF7A  }
0x23: {  	s9 =	sor.u32 $0xD0000000, s2;
	s6 =	simm.s32 $0x108;
	_ =	swait.ge @!p0 [sflag:s8], $0x0  }
0x24: {  	s3 =	sadd.s32 $0x88, s3;
	s6 =	simm.s32 @!p1 $0x1082;
	[sflag:s4] =	ssyncset.s32 $0xFFFFF086  }
0x25: {  	[simem:s6], [sflag:s4] =	dma.local [hbm:s3], $0xF7A  }
0x26: {  	[smem:$0x3F94] =	sst s1;
	(tag) =	ssettag s2;
	_ =	strace s9  }
0x27: {  	s1 =	sld [smem:$0x3FA4]  }
0x28: {  	s2 =	sld [smem:$0x3FA5]  }
0x29: {  	s4 =	sld [smem:$0x3FA7]  }
0x2a: {  	p0 =	seq.s32 s5, $0x0;
	s5 =	sld [smem:$0x3FA8]  }
0x2b: {  	s6 =	sld [smem:$0x3FA9]  }
0x2c: {  	s7 =	sld [smem:$0x3FAA]  }
0x2d: {  	s3 =	simm.s32 $0x108;
	s8 =	sld [smem:$0x3FAB]  }
0x2e: {  	s3 =	simm.s32 @!p0 $0x1082;
	s9 =	sld [smem:$0x3FAC]  }
0x2f: {  	lr =	sadd.s32 s0, s3;
	s0 =	sld [smem:$0x3FA3]  }
0x30: {  	s3 =	sld [smem:$0x3FA6]  }
0x31: {  	[smem:$0x3FAF] =	sst s10  }
0x32: {  	s10 =	sld [smem:$0x3FAD];
	_ =	sdelay $0x3  }
0x33: {  	p0 =	seq.s32 s10, $0x1;
	s10 =	sld [smem:$0x3FAF];
	_ =	sdelay $0x3  }
0x34: {  	[smem:$0x3FAF] =	sst s10  }
0x35: {  	s10 =	sld [smem:$0x3FAE];
	_ =	sdelay $0x3  }
0x36: {  	p1 =	seq.s32 s10, $0x1;
	s10 =	sld [smem:$0x3FAF];
	_ =	sdelay $0x3  }
0x37: {  	[smem:$0x3FAF] =	sst s10  }
0x38: {  	s10 =	sld [smem:$0x3FB0]  }
0x39: {  	_ = 	snop;
	(pc) =	sbr.ind lr, $3  }
0x3a: {  	_ = 	snop  }
0x3b: {  	_ = 	snop  }
0x3c: {  	p2 =	seq.s32 s10, $0x1;
	s10 =	sld [smem:$0x3FAF]  }
0x3d: {  	_ =	shalt  }
0x3e: {  	_ =	shalt  }
0x3f: {  	_ =	shalt  }
0x40: {  	_ =	shalt  }
0x41: {  	_ =	shalt  }
0x42: {  	_ =	shalt  }
0x43: {  	_ =	shalt  }
0x44: {  	_ =	shalt  }
0x45: {  	_ =	shalt  }
0x46: {  	_ =	shalt  }
0x47: {  	_ =	shalt  }
0x48: {  	_ =	shalt  }
0x49: {  	_ =	shalt  }
0x4a: {  	_ =	shalt  }
0x4b: {  	_ =	shalt  }
0x4c: {  	_ =	shalt  }
0x4d: {  	_ =	shalt  }
0x4e: {  	_ =	shalt  }
0x4f: {  	_ =	shalt  }
0x50: {  	_ =	shalt  }
0x51: {  	_ =	shalt  }
0x52: {  	_ =	shalt  }
0x53: {  	_ =	shalt  }
0x54: {  	_ =	shalt  }
0x55: {  	_ =	shalt  }
0x56: {  	_ =	shalt  }
0x57: {  	_ =	shalt  }
0x58: {  	_ =	shalt  }
0x59: {  	_ =	shalt  }
0x5a: {  	_ =	shalt  }
0x5b: {  	_ =	shalt  }
0x5c: {  	_ =	shalt  }
0x5d: {  	_ =	shalt  }
0x5e: {  	_ =	shalt  }
0x5f: {  	_ =	shalt  }
0x60: {  	_ =	shalt  }
0x61: {  	_ =	shalt  }
0x62: {  	_ =	shalt  }
0x63: {  	_ =	shalt  }
0x64: {  	_ =	shalt  }
0x65: {  	_ =	shalt  }
0x66: {  	_ =	shalt  }
0x67: {  	_ =	shalt  }
0x68: {  	_ =	shalt  }
0x69: {  	_ =	shalt  }
0x6a: {  	_ =	shalt  }
0x6b: {  	_ =	shalt  }
0x6c: {  	_ =	shalt  }
0x6d: {  	_ =	shalt  }
0x6e: {  	_ =	shalt  }
0x6f: {  	_ =	shalt  }
0x70: {  	_ =	shalt  }
0x71: {  	_ =	shalt  }
0x72: {  	_ =	shalt  }
0x73: {  	_ =	shalt  }
0x74: {  	_ =	shalt  }
0x75: {  	_ =	shalt  }
0x76: {  	_ =	shalt  }
0x77: {  	_ =	shalt  }
0x78: {  	_ =	shalt  }
0x79: {  	_ =	shalt  }
0x7a: {  	_ =	shalt  }
0x7b: {  	_ =	shalt  }
0x7c: {  	_ =	shalt  }
0x7d: {  	_ =	shalt  }
0x7e: {  	_ =	shalt  }
0x7f: {  	_ =	shalt  }
0x80: {  	_ =	shalt  }
0x81: {  	_ =	shalt  }
0x82: {  	_ =	shalt  }
0x83: {  	_ =	shalt  }
0x84: {  	_ =	shalt  }
0x85: {  	_ =	shalt  }
0x86: {  	_ =	shalt  }
0x87: {  	_ =	shalt  }
.Lfunc_end0:
.L_simem_size_0:
called_computation_lowered:
.L_overlay_start_0:
0x88: {  	s2 =	sld [smem:$0x3FD9]  }
0x89: {  	s3 =	sld [smem:$0x3FFE];
	_ =	sdelay $0x1  }
0x8a: {  	s1 =	srdreg.scid  }
0x8b: {  	s0 =	sand.u32 $0x1, s1  }
0x8c: {  	s25 =	sshll.u32 s0, $0xA;
	s2 =	sadd.s32 s3, s2  }
0x8d: {  	s2 =	sadd.s32 s2, s25  }
0x8e: {  	[smem:$0x3FBB] =	sst s2  }
0x8f: {  	_ = 	snop  }
0x90: {  	s5 =	sld [smem:$0x3FC9]  }
0x91: {  	s4 =	sld [smem:$0x3FC8]  }
0x92: {  	s6 =	sld [smem:$0x3FC7]  }
0x93: {  	s3 =	sld [smem:$0x3FC6]  }
0x94: {  	s2 =	sld [smem:$0x3FC5]  }
0x95: {  	s10 =	sld [smem:$0x3FC4]  }
0x96: {  	s7 =	sld [smem:$0x3FC3]  }
0x97: {  	s15 =	sld [smem:$0x3FC2]  }
0x98: {  	s14 =	sld [smem:$0x3FC1]  }
0x99: {  	s13 =	sld [smem:$0x3FC0]  }
0x9a: {  	s11 =	sld [smem:$0x3FBF]  }
0x9b: {  	s12 =	sld [smem:$0x3FBE]  }
0x9c: {  	s8 =	sld [smem:$0x3FBD]  }
0x9d: {  	s9 =	sld [smem:$0x3FD0];
	(tm) =	ssettm $0x1  }
0x9e: {  	s16 =	sld [smem:$0x3FFB];
	_ =	sdelay $0x3  }
0x9f: {  	_ =	strace s16  }
0xa0: {  	s16 =	sld [smem:$0x3FFC];
	_ =	sdelay $0x3  }
0xa1: {  	_ =	strace s16  }
0xa2: {  	s16 =	sld [smem:$0x3FFD];
	_ =	sdelay $0x3  }
0xa3: {  	_ =	strace s16  }
0xa4: {  	_ =	strace $0x8FFFFFFF  }
0xa5: {  	s26 =	sld [smem:$0x3FDB];
	_ =	sdelay $0x1  }
0xa6: {  	s17 =	simm.s32 $_scs_section_size  }
0xa7: {  	s18 =	simm.s32 $_size__tile_task_arg_handler_lowered;
	s19 =	simm.s32 $_tile_task_arg_handler_lowered  }
0xa8: {  	s30 =	simm.s32 $0x1BFF;
	s29 =	sshll.u32 s19, $0x1;
	s17 =	sadd.s32 s17, s26  }
0xa9: {  	s20 =	simm.s32 $0x60;
	s28 =	sshll.u32 s18, $0x1;
	s18 =	sadd.s32 s29, s17  }
0xaa: {  	[timem:s20], [sflag:s30] =	dma.local [hbm:s18], s28  }
0xab: {  	_ =	swait.ge [sflag:s30], s28  }
0xac: {  	s31 =	simm.s32 $_tile_overlayer_lowered;
	s16 =	ssub.s32 $0x0, s28;
	[sflag:s30] =	ssyncset.done $0x0  }
0xad: {  	s20 =	simm.s32 $_size__tile_overlayer_lowered;
	s18 =	sshll.u32 s31, $0x1;
	[sflag:s30] =	ssyncadd.s32 s16  }
0xae: {  	s22 =	simm.s32 $0x0;
	s21 =	sshll.u32 s20, $0x1;
	s18 =	sadd.s32 s18, s17  }
0xaf: {  	[timem:s22], [sflag:s30] =	dma.local [hbm:s18], s21  }
0xb0: {  	_ =	swait.ge [sflag:s30], s21  }
0xb1: {  	s23 =	ssub.s32 $0x0, s21;
	[sflag:s30] =	ssyncset.done $0x0  }
0xb2: {  	[sflag:s30] =	ssyncadd.s32 s23;
	_ =	sdelay $0x1  }
0xb3: {  	s24 =	simm.s32 $0x1B8B  }
0xb4: {  	_ =	swait.ge [sflag:s24], $0x1  }
0xb5: {  	[sflag:s24] =	ssyncset.done $0x0  }
0xb6: {  	s25 =	simm.s32 $0x1B8E;
	[sflag:s24] =	ssyncadd.s32 $0xFFFFFFFF  }
0xb7: {  	s26 =	simm.s32 $execute0_lowered;
	[smem:$0x3FD2] =	sst s25  }
0xb8: {  	s18 =	sshll.u32 s26, $0x1;
	_ =	strace $0x80000046;
	[dreg:$0x1] =	wrdreg $0xFFFFFFFF  }
0xb9: {  	s28 =	simm.s32 $_size_execute0_lowered;
	s17 =	sadd.s32 s17, s18;
	[dreg:$0x0] =	wrdreg $0x0  }
0xba: {  	s18 =	sshll.u32 s28, $0x1;
	[dreg:$0x2] =	wrdreg s17  }
0xbb: {  	[dreg:$0x3] =	wrdreg s18  }
0xbc: {  	[dreg:$0x4] =	wrdreg $0xC0  }
0xbd: {  	_ =	task [dreg:s22], $0x5FFFF  }
0xbe: {  	[dreg:$0x1] =	wrdreg $0xFFFFFFFF  }
0xbf: {  	[dreg:$0x0] =	wrdreg $0x30  }
0xc0: {  	[dreg:$0x2] =	wrdreg $0x0  }
0xc1: {  	[dreg:$0x3] =	wrdreg $0x9  }
0xc2: {  	_ =	task [dreg:s22], $0x4FFFF  }
0xc3: {  	[dreg:$0x1] =	wrdreg $0xFFFFFFFF  }
0xc4: {  	[dreg:$0x0] =	wrdreg $0x60  }
0xc5: {  	[dreg:$0x2] =	wrdreg s5  }
0xc6: {  	[dreg:$0x3] =	wrdreg s15  }
0xc7: {  	[dreg:$0x4] =	wrdreg s6  }
0xc8: {  	[dreg:$0x5] =	wrdreg s14  }
0xc9: {  	[dreg:$0x6] =	wrdreg s10  }
0xca: {  	[dreg:$0x7] =	wrdreg s4  }
0xcb: {  	[dreg:$0x8] =	wrdreg s7  }
0xcc: {  	[dreg:$0x9] =	wrdreg s13  }
0xcd: {  	[dreg:$0xa] =	wrdreg s3  }
0xce: {  	[dreg:$0xb] =	wrdreg s11  }
0xcf: {  	[dreg:$0xc] =	wrdreg s12  }
0xd0: {  	[dreg:$0xd] =	wrdreg s2  }
0xd1: {  	[dreg:$0xe] =	wrdreg s8  }
0xd2: {  	[dreg:$0xf] =	wrdreg s9  }
0xd3: {  	_ =	task.clear_ibuf [dreg:s22], $0x10FFFF;
	_ =	strace $0x90000046  }
0xd4: {  	s29 =	simm.s32 $0x9;
	_ =	strace $0x80000048  }
0xd5: {  	_ =	swait.ge [sflag:s29], $0x1  }
0xd6: {  	[sflag:s29] =	ssyncadd.s32 $0xFFFFFFFF  }
0xd7: {  	_ =	strace $0x90000048  }
0xd8: {  	_ =	sfence  }
0xd9: {  	s30 =	sld [smem:$0x0];
	_ =	sdelay $0x2  }
0xda: {  	s31 =	sshll.u32 s1, $0xD;
	s1 =	sshrl.u32 s1, $0x2  }
0xdb: {  	s3 =	sand.u32 $0x4000, s31;
	s1 =	sadd.s32 s1, s30  }
0xdc: {  	s0 =	sor.u32 s3, s0;
	s1 =	sshll.u32 s1, $0x11  }
0xdd: {  	s0 =	sor.u32 s1, s0  }
0xde: {  	s0 =	sadd.s32 $0x8F2B, s0  }
0xdf: {  	[sflag:s0] =	ssyncadd.remote.s32 $0x1  }
0xe0: {  	_ =	sfence.sel $0xFFFF  }
0xe1: {  	[dreg:$0x0] =	wrdreg $0xFFFFFFFF;
	(pc) =	sbr.abs _section_cstart, $3  }
0xe2: {  	[dreg:$0x1] =	wrdreg $0xFFFFFFFF  }
0xe3: {  	_ =	task.clear_ibuf [dreg:s22], $0x2FFFF;
	_ =	strace $0x9FFFFFFF  }
0xe4: {  	(tm) =	ssettm $0x7FFFFFFF  }
0xe5: {  	_ =	shalt  }
tec
_tile_task_arg_handler_lowered:
.L_overlay_start_1:
0x0: {  	(tag) =	ssettag $0x1  }
0x1: {  	s0 =	rddreg [dreg:$0x0]  }
0x2: {  	s1 =	rddreg [dreg:$0x1]  }
0x3: {  	s2 =	rddreg [dreg:$0x2]  }
0x4: {  	s3 =	rddreg [dreg:$0x3]  }
0x5: {  	s4 =	rddreg [dreg:$0x4]  }
0x6: {  	s5 =	rddreg [dreg:$0x5]  }
0x7: {  	s6 =	rddreg [dreg:$0x6]  }
0x8: {  	s7 =	rddreg [dreg:$0x7]  }
0x9: {  	s8 =	rddreg [dreg:$0x8]  }
0xa: {  	s9 =	rddreg [dreg:$0x9]  }
0xb: {  	s10 =	rddreg [dreg:$0xa]  }
0xc: {  	s11 =	rddreg [dreg:$0xb]  }
0xd: {  	s12 =	rddreg [dreg:$0xc]  }
0xe: {  	s13 =	rddreg [dreg:$0xd]  }
0xf: {  	[smem:s0] =	sst s1  }
0x10: {  	[smem:s0+$0x1] =	sst s2  }
0x11: {  	[smem:s0+$0x2] =	sst s3  }
0x12: {  	[smem:s0+$0x3] =	sst s4  }
0x13: {  	[smem:s0+$0x4] =	sst s5  }
0x14: {  	[smem:s0+$0x5] =	sst s6  }
0x15: {  	[smem:s0+$0x6] =	sst s7  }
0x16: {  	[smem:s0+$0x7] =	sst s8  }
0x17: {  	[smem:s0+$0x8] =	sst s9  }
0x18: {  	[smem:s0+$0x9] =	sst s10  }
0x19: {  	[smem:s0+$0xA] =	sst s11  }
0x1a: {  	[smem:s0+$0xB] =	sst s12  }
0x1b: {  	[smem:s0+$0xC] =	sst s13;
	_ =	shalt  }
.Lfunc_end2:
execute0_lowered:
.L_overlay_start_2:
0x1c: {  	(tag) =	ssettag $0x2  }
0x1d: {  	s4 =	rddreg [dreg:$0x0]  }
0x1e: {  	s0 =	rddreg [dreg:$0x1]  }
0x1f: {  	s17 =	rddreg [dreg:$0x2]  }
0x20: {  	s18 =	rddreg [dreg:$0x3]  }
0x21: {  	s19 =	rddreg [dreg:$0x4]  }
0x22: {  	s20 =	rddreg [dreg:$0x5]  }
0x23: {  	s21 =	rddreg [dreg:$0x6]  }
0x24: {  	s22 =	rddreg [dreg:$0x7]  }
0x25: {  	s23 =	rddreg [dreg:$0x8]  }
0x26: {  	s24 =	rddreg [dreg:$0x9]  }
0x27: {  	s25 =	rddreg [dreg:$0xa]  }
0x28: {  	s26 =	rddreg [dreg:$0xb]  }
0x29: {  	s28 =	rddreg [dreg:$0xc]  }
0x2a: {  	s5 =	rddreg [dreg:$0xd]  }
0x2b: {  	[dreg:$0x19] =	wrdreg s0  }
0x2c: {  	[dreg:$0x18] =	wrdreg s17  }
0x2d: {  	[dreg:$0x17] =	wrdreg s18  }
0x2e: {  	[dreg:$0x16] =	wrdreg s19  }
0x2f: {  	[dreg:$0x15] =	wrdreg s20  }
0x30: {  	[dreg:$0x14] =	wrdreg s21  }
0x31: {  	[dreg:$0x10] =	wrdreg s22  }
0x32: {  	[dreg:$0xf] =	wrdreg s23  }
0x33: {  	[dreg:$0xe] =	wrdreg s24  }
0x34: {  	[dreg:$0x13] =	wrdreg s25  }
0x35: {  	s29 =	srdreg.scid;
	[dreg:$0x12] =	wrdreg s26  }
0x36: {  	s1 =	simm.s32 $0x0;
	s2 =	stileid.u32;
	[dreg:$0x11] =	wrdreg s28  }
0x37: {  	s6 =	sand.u32 $0x1, s29;
	[smem:$0x7FF] =	sst s1;
	s8 =	sshll.u32 s2, $0x5  }
0x38: {  	s10 =	sshll.u32 s2, $0xC;
	s3 =	ssub.s32 $0x2, s6;
	s0 =	sld [smem:$0x0]  }
0x39: {  	_ =	strace $0x80000047;
	s9 =	sshll.u32 s6, $0x4;
	s7 =	sshrl.u32 s3, $0x1  }
0x3a: {  	s5 =	sadd.s32 s10, s5;
	s7 =	ssub.s32 s3, s7;
	s3 =	sshrl.u32 s2, $0x2  }
0x3b: {  	s6 =	sshll.u32 s6, $0xB;
	s8 =	sor.u32 s9, s8;
	p0 =	sgt.s32 s3, $0x1  }
0x3c: {  	s5 =	sadd.s32 s6, s5;
	s9 =	simm.s32 $0xD;
	s10 =	simm.s32 @!p0 $0x0  }
0x3d: {  	s8 =	sand.u32 $0x70, s8;
	s10 =	simm.s32 @p0 $0x1;
	p0 =	seq.s32 s3, $0x0  }
0x3e: {  	s5 =	sadd.s32 $0xFFFD0000, s5;
	[smem:$0x7FA] =	sst s10;
	s10 =	simm.s32 @!p0 $0x0  }
0x3f: {  	s30 =	smul.u32 $0x2710, s3;
	s10 =	simm.s32 @p0 $0x1;
	p0 =	seq.s32 s3, $0x2  }
.Ltmp0:
0x40: {  	[smem:$0x7FB] =	sst s10;
	s10 =	simm.s32 @!p0 $0x0;
	(pc) =	sbr.rel .LBB3_1-.Ltmp0, $4  }
0x41: {  	s4 =	sadd.s32 s4, s8;
	s10 =	simm.s32 @p0 $0x1;
	p0 =	sne.s32 s3, $0x3  }
0x42: {  	s31 =	sshll.u32 s3, $0x10;
	[smem:$0x7FC] =	sst s10;
	s10 =	simm.s32 @!p0 $0x0  }
0x43: {  	s6 =	smax.u32 s7, $0x1;
	s8 =	sadd.s32 s31, s5;
	s10 =	simm.s32 @p0 $0x1  }
0x44: {  	s7 =	sadd.s32 $0xFFFD67F0, s30;
	[smem:$0x7FD] =	sst s10;
	s10 =	simm.s32 $0x0  }
.LBB3_4:
0x45: {  	p0 =	por $0x0, $0x0  }
0x46: {  	s11 =	simm.s32 @!p0 $0x0  }
0x47: {  	s13 =	smov.u32 s8;
	s11 =	simm.s32 @p0 $0x1  }
0x48: {  	s12 =	smov.u32 s7;
	[smem:$0x7F9] =	sst s11;
	s11 =	smov.u32 s3  }
.LBB3_7:
0x49: {  	s15 =	sld [smem:$0x7F9];
	_ =	sdelay $0x2  }
0x4a: {  	p2 =	seq.s32 s15, $0x1  }
0x4b: {  	p5 =	por p5, !p2  }
0x4c: {  	s15 =	simm.s32 @!p5 $0x0  }
0x4d: {  	s15 =	simm.s32 @p5 $0x1;
	p5 =	por p4, !p2  }
0x4e: {  	[smem:$0x7F4] =	sst s15;
	s15 =	simm.s32 @!p5 $0x0  }
0x4f: {  	s15 =	simm.s32 @p5 $0x1;
	s29 =	sld [smem:$0x7F4]  }
0x50: {  	[smem:$0x7F5] =	sst s15  }
0x51: {  	s30 =	sld [smem:$0x7F5]  }
0x52: {  	s31 =	sld [smem:$0x7F7]  }
0x53: {  	p5 =	seq.s32 s29, $0x1  }
0x54: {  	s15 =	sor.u32 @!p5 $0x480, s19;
	p5 =	seq.s32 s30, $0x1  }
0x55: {  	p4 =	por @p2 p6, p4;
	p6 =	seq.s32 s31, $0x1;
	v0 =	vmul.u32 @!p5 s17, v0  }
0x56: {  	p0 =	por p0, !p2;
	p6 =	por p6, !p2;
	p4 =	por p4, !p2  }
0x57: {  	s16 =	sadd.s32 @!p4 $0x1, s16;
	s17 =	sshrl.u32 @!p1 s24, $0xA;
	s24 =	rddreg [dreg:$0x19];
	v0 =	vadd.s32 @!p5 s14, v0  }
0x58: {  	s19 =	sadd.s32 @!p5 $0x80, s18;
	s17 =	sand.u32 @!p1 $0x3F, s17;
	s14 =	rddreg [dreg:$0x18];
	[tilespmem:s18+$0xF0] =	vst @!p5 v0  }
0x59: {  	[tilespmem:s15], [sflag:s21] =	stream.indirect.gather @!p0 [hbm4b:s22+s25], $0x80, s19, s25, $0xb8;
	[tilespmem:$0x18480] =	vst v63  }
0x5a: {  	s17 =	smul.u32 @!p1 $0x6, s17;
	s18 =	sand.u32 @!p3 $0xFF, s23;
	s22 =	simm.s32 @!p6 $0x80  }
0x5b: {  	[tilespmem:s15], [sflag:s21] =	stream.indirect.gather @!p6 [hbm4b:s14+s22], $0x80, s19, s22, $0xb8;
	[tilespmem:$0x18480] =	vst v63  }
0x5c: {  	s18 =	sadd.s32 @!p3 $0x7, s18;
	s14 =	simm.s32 @!p4 $0x480;
	s15 =	simm.s32 @!p4 $0x80  }
0x5d: {  	[tilespmem:s14], [sflag:s16] =	stream.indirect.gather @!p4 [hbm4b:s24+s15], $0x80, s19, s15, $0xb8;
	[tilespmem:$0x18480] =	vst v63  }
0x5e: {  	s14 =	ssub.s32 @!p1 s20, s17;
	_ =	swait.ge @!p3 [sflag:s18], $0x4000  }
0x5f: {  	s14 =	sand.u32 @!p1 $0xFF, s14;
	[sflag:s18] =	ssyncset.done @!p3 $0x0  }
0x60: {  	s15 =	sadd.s32 @!p1 $0x1, s14;
	[sflag:s18] =	ssyncadd.s32 @!p3 $0xFFFFC000  }
0x61: {  	p0 =	sgt.u32 s11, $0x4C;
	s17 =	simm.s32 @!p1 $0x0;
	_ =	swait.ge @!p1 [sflag:s15], $0x4000  }
0x62: {  	s16 =	sadd.s32 @!p1 $0x7, s14;
	s14 =	sshll.u32 @!p1 s14, $0xE;
	[sflag:s15] =	ssyncset.done @!p1 $0x0  }
0x63: {  	s14 =	sor.u32 @!p1 $0x480, s14;
	s18 =	smul.u32 @!p0 $0xAB, s11;
	[sflag:s15] =	ssyncadd.s32 @!p1 $0xFFFFC000  }
0x64: {  	[hbm4b:s13+s17] =	stream.linear.scatter @!p1 [tilespmem:s14], [sflag:s16], $0x4000, $0x38;
	[tilespmem:$0x18480] =	vst v63  }
0x65: {  	v0 =	vld @!p0 [tilespmem:$0x0]  }
0x66: {  	s13 =	sadd.s32 @!p0 $0xFFFFFFFF, s11;
	s14 =	sshrl.u32 @!p0 s18, $0xA  }
0x67: {  	p1 =	slt.u32 @!p0 s13, $0x10;
	s14 =	sand.u32 @!p0 $0x3F, s14  }
0x68: {  	s15 =	simm.s32 @!p0 $0x10;
	p1 =	por !p1, p0;
	s14 =	smul.u32 @!p0 $0x6, s14  }
0x69: {  	p2 =	seq.s32 @!p0 s11, $0x0;
	s16 =	smov.u32 s13;
	s15 =	simm.s32 @p1 $0x1  }
0x6a: {  	p2 =	por !p2, p0;
	s16 =	smov.u32 @p1 s12;
	s12 =	ssub.s32 @!p0 s11, s14;
	v0 =	vmul.u32 @!p0 s15, v0  }
0x6b: {  	s16 =	simm.s32 @!p2 $0x0;
	s12 =	sand.u32 @!p0 $0xFF, s12  }
0x6c: {  	s14 =	sshll.u32 @!p0 s12, $0x7;
	v0 =	vadd.s32 @!p0 s16, v0  }
0x6d: {  	[tilespmem:s14+$0x80] =	vst @!p0 v0  }
0x6e: {  	v0 =	vld @!p0 [tilespmem:$0x10];
	_ =	sdelay $0x4  }
0x6f: {  	v0 =	vmul.u32 @!p0 s15, v0;
	_ =	sdelay $0x1  }
0x70: {  	v0 =	vadd.s32 @!p0 s16, v0  }
0x71: {  	[tilespmem:s14+$0x90] =	vst @!p0 v0  }
0x72: {  	v0 =	vld @!p0 [tilespmem:$0x20];
	_ =	sdelay $0x4  }
0x73: {  	v0 =	vmul.u32 @!p0 s15, v0;
	_ =	sdelay $0x1  }
0x74: {  	v0 =	vadd.s32 @!p0 s16, v0  }
0x75: {  	[tilespmem:s14+$0xA0] =	vst @!p0 v0  }
0x76: {  	v0 =	vld @!p0 [tilespmem:$0x30];
	_ =	sdelay $0x4  }
0x77: {  	v0 =	vmul.u32 @!p0 s15, v0;
	_ =	sdelay $0x1  }
0x78: {  	v0 =	vadd.s32 @!p0 s16, v0  }
0x79: {  	[tilespmem:s14+$0xB0] =	vst @!p0 v0  }
0x7a: {  	v0 =	vld @!p0 [tilespmem:$0x40];
	_ =	sdelay $0x4  }
0x7b: {  	v0 =	vmul.u32 @!p0 s15, v0;
	_ =	sdelay $0x1  }
0x7c: {  	v0 =	vadd.s32 @!p0 s16, v0  }
0x7d: {  	[tilespmem:s14+$0xC0] =	vst @!p0 v0  }
0x7e: {  	v0 =	vld @!p0 [tilespmem:$0x50];
	_ =	sdelay $0x4  }
0x7f: {  	v0 =	vmul.u32 @!p0 s15, v0;
	_ =	sdelay $0x1  }
0x80: {  	v0 =	vadd.s32 @!p0 s16, v0  }
0x81: {  	[tilespmem:s14+$0xD0] =	vst @!p0 v0  }
0x82: {  	v0 =	vld @!p0 [tilespmem:$0x60];
	_ =	sdelay $0x4  }
0x83: {  	v0 =	vmul.u32 @!p0 s15, v0;
	_ =	sdelay $0x1  }
0x84: {  	v0 =	vadd.s32 @!p0 s16, v0  }
0x85: {  	[tilespmem:s14+$0xE0] =	vst @!p0 v0  }
0x86: {  	v0 =	vld @!p0 [tilespmem:$0x70];
	_ =	sdelay $0x1  }
0x87: {  	p1 =	sne.s32 @!p0 s11, $0x0  }
0x88: {  	p2 =	por !p1, p0  }
0x89: {  	p3 =	sgt.u32 @!p2 s13, $0xF  }
0x8a: {  	p4 =	por @!p0 !p3, !p1;
	s13 =	sshll.u32 @!p2 s12, $0xE;
	v0 =	vmul.u32 @!p0 s15, v0  }
0x8b: {  	s11 =	rddreg [dreg:$0x17];
	p4 =	por p4, p0;
	s13 =	sor.u32 @!p2 $0x480, s13  }
0x8c: {  	s17 =	sadd.s32 @!p0 $0x80, s14;
	s15 =	sadd.s32 @!p2 $0x1, s12;
	p2 =	por @!p0 p3, !p1;
	v0 =	vadd.s32 @!p0 s16, v0  }
0x8d: {  	p2 =	por p2, p0;
	s16 =	simm.s32 @!p4 $0x80;
	[tilespmem:s14+$0xF0] =	vst @!p0 v0;
	s14 =	rddreg [dreg:$0x19]  }
0x8e: {  	[tilespmem:s13], [sflag:s15] =	stream.indirect.gather @!p4 [hbm4b:s11+s16], $0x80, s17, s16, $0xb8;
	[tilespmem:$0x18480] =	vst v63  }
0x8f: {  	p0 =	por p1, p0;
	s11 =	rddreg [dreg:$0x18];
	s16 =	simm.s32 @!p2 $0x80  }
0x90: {  	[tilespmem:s13], [sflag:s15] =	stream.indirect.gather @!p2 [hbm4b:s11+s16], $0x80, s17, s16, $0xb8;
	[tilespmem:$0x18480] =	vst v63  }
0x91: {  	s11 =	sadd.s32 @!p0 $0x1, s12;
	s12 =	simm.s32 @!p0 $0x480;
	s13 =	simm.s32 @!p0 $0x80  }
0x92: {  	[tilespmem:s12], [sflag:s11] =	stream.indirect.gather @!p0 [hbm4b:s14+s13], $0x80, s17, s13, $0xb8;
	[tilespmem:$0x18480] =	vst v63  }
.LBB3_18:
0x93: {  	s10 =	sadd.s32 $0x1, s10  }
0x94: {  	p0 =	sne.s32 s10, s6  }
.Ltmp1:
0x95: {  	_ = 	snop;
	(pc) =	sbr.rel @!p0 .LBB3_19-.Ltmp1, $1  }
0x96: {  	_ =	sdelay $0x3  }
.LBB3_1:
0x97: {  	[tilespmem:s1], [sflag:$0xD] =	stream.linear.gather [hbm4b:s4+s1], $0x80, $0x38;
	[tilespmem:$0x18480] =	vst v63  }
0x98: {  	_ =	swait.ge [sflag:s9], $0x80  }
0x99: {  	s12 =	sld [smem:$0x7FA];
	_ =	sdelay $0x2  }
0x9a: {  	p0 =	seq.s32 s12, $0x1  }
.Ltmp2:
0x9b: {  	_ = 	snop;
	(pc) =	sbr.rel @p0 .LBB3_11-.Ltmp2, $3  }
0x9c: {  	_ =	sdelay $0x1  }
0x9d: {  	[sflag:s9] =	ssyncset.done $0x0  }
0x9e: {  	s11 =	simm.s32 $0xFFFD67F0;
	[sflag:s9] =	ssyncadd.s32 $0xFFFFFF80  }
0x9f: {  	s12 =	sld [smem:$0x7FB];
	_ =	sdelay $0x2  }
0xa0: {  	p0 =	seq.s32 s12, $0x1  }
.Ltmp3:
0xa1: {  	_ = 	snop;
	(pc) =	sbr.rel @!p0 .LBB3_8-.Ltmp3, $1  }
0xa2: {  	_ =	sdelay $0x3  }
0xa3: {  	p3 =	slt.u32 s3, $0x6  }
0xa4: {  	s11 =	smul.u32 @!p3 $0xAB, s3;
	_ =	sdelay $0x1  }
0xa5: {  	s11 =	sshrl.u32 @!p3 s11, $0xA  }
0xa6: {  	s12 =	sand.u32 @!p3 $0x3F, s11;
	s11 =	sadd.s32 $0x1, s3  }
0xa7: {  	p0 =	seq.s32 s11, $0x53  }
.Ltmp4:
0xa8: {  	_ = 	snop;
	(pc) =	sbr.rel @p0 .LBB3_4-.Ltmp4, $4  }
0xa9: {  	_ = 	snop  }
0xaa: {  	s20 =	sadd.s32 $0xFFFFFFFD, s3;
	s12 =	smul.u32 @!p3 $0x6, s12  }
0xab: {  	p1 =	sgt.u32 s20, $0x4C  }
0xac: {  	s24 =	smul.u32 @!p1 $0xAB, s20;
	s23 =	ssub.s32 @!p3 s3, s12  }
0xad: {  	_ = 	snop  }
0xae: {  	s12 =	sshrl.u32 @!p1 s24, $0xA  }
0xaf: {  	s12 =	sand.u32 @!p1 $0x3F, s12  }
0xb0: {  	s13 =	sand.u32 @!p3 $0xFF, s23;
	s12 =	smul.u32 @!p1 $0x6, s12  }
0xb1: {  	s13 =	sadd.s32 @!p3 $0x7, s13  }
0xb2: {  	_ =	swait.ge @!p3 [sflag:s13], $0x4000;
	s12 =	ssub.s32 @!p1 s20, s12  }
0xb3: {  	[sflag:s13] =	ssyncset.done @!p3 $0x0;
	s12 =	sand.u32 @!p1 $0xFF, s12  }
0xb4: {  	[sflag:s13] =	ssyncadd.s32 @!p3 $0xFFFFC000;
	s13 =	sadd.s32 @!p1 $0x1, s12  }
0xb5: {  	p4 =	sgt.u32 s3, $0x4C;
	s15 =	simm.s32 @!p1 $0x0;
	_ =	swait.ge @!p1 [sflag:s13], $0x4000  }
0xb6: {  	s14 =	sadd.s32 @!p1 $0x7, s12;
	s12 =	sshll.u32 @!p1 s12, $0xE;
	[sflag:s13] =	ssyncset.done @!p1 $0x0  }
0xb7: {  	s16 =	smul.u32 @!p4 $0xAB, s3;
	s12 =	sor.u32 @!p1 $0x480, s12;
	[sflag:s13] =	ssyncadd.s32 @!p1 $0xFFFFC000  }
0xb8: {  	[hbm4b:s8+s15] =	stream.linear.scatter @!p1 [tilespmem:s12], [sflag:s14], $0x4000, $0x38;
	[tilespmem:$0x18480] =	vst v63  }
0xb9: {  	v0 =	vld @!p4 [tilespmem:$0x0]  }
0xba: {  	s13 =	sshrl.u32 @!p4 s16, $0xA;
	s12 =	sadd.s32 @!p4 $0xFFFFFFFF, s3  }
0xbb: {  	s13 =	sand.u32 @!p4 $0x3F, s13;
	p0 =	slt.u32 @!p4 s12, $0x10  }
0xbc: {  	s17 =	simm.s32 @!p4 $0x10;
	s13 =	smul.u32 @!p4 $0x6, s13;
	p0 =	por !p0, p4  }
0xbd: {  	p1 =	seq.s32 @!p4 s3, $0x0;
	s14 =	smov.u32 s12;
	s17 =	simm.s32 @p0 $0x1  }
0xbe: {  	p1 =	por !p1, p4;
	s14 =	smov.u32 @p0 s7;
	s13 =	ssub.s32 @!p4 s3, s13;
	v0 =	vmul.u32 @!p4 s17, v0  }
0xbf: {  	s14 =	simm.s32 @!p1 $0x0;
	s16 =	sand.u32 @!p4 $0xFF, s13  }
0xc0: {  	s18 =	sshll.u32 @!p4 s16, $0x7;
	v0 =	vadd.s32 @!p4 s14, v0  }
0xc1: {  	[tilespmem:s18+$0x80] =	vst @!p4 v0  }
0xc2: {  	v0 =	vld @!p4 [tilespmem:$0x10];
	_ =	sdelay $0x4  }
0xc3: {  	v0 =	vmul.u32 @!p4 s17, v0;
	_ =	sdelay $0x1  }
0xc4: {  	v0 =	vadd.s32 @!p4 s14, v0  }
0xc5: {  	[tilespmem:s18+$0x90] =	vst @!p4 v0  }
0xc6: {  	v0 =	vld @!p4 [tilespmem:$0x20];
	_ =	sdelay $0x4  }
0xc7: {  	v0 =	vmul.u32 @!p4 s17, v0;
	_ =	sdelay $0x1  }
0xc8: {  	v0 =	vadd.s32 @!p4 s14, v0  }
0xc9: {  	[tilespmem:s18+$0xA0] =	vst @!p4 v0  }
0xca: {  	v0 =	vld @!p4 [tilespmem:$0x30];
	_ =	sdelay $0x4  }
0xcb: {  	v0 =	vmul.u32 @!p4 s17, v0;
	_ =	sdelay $0x1  }
0xcc: {  	v0 =	vadd.s32 @!p4 s14, v0  }
0xcd: {  	[tilespmem:s18+$0xB0] =	vst @!p4 v0  }
0xce: {  	v0 =	vld @!p4 [tilespmem:$0x40];
	_ =	sdelay $0x4  }
0xcf: {  	v0 =	vmul.u32 @!p4 s17, v0;
	_ =	sdelay $0x1  }
0xd0: {  	v0 =	vadd.s32 @!p4 s14, v0  }
0xd1: {  	[tilespmem:s18+$0xC0] =	vst @!p4 v0  }
0xd2: {  	v0 =	vld @!p4 [tilespmem:$0x50];
	_ =	sdelay $0x3  }
0xd3: {  	p6 =	sne.s32 @!p4 s3, $0x0;
	p3 =	slt.u32 s11, $0x6  }
0xd4: {  	p5 =	por !p6, p4;
	s13 =	smul.u32 @!p3 $0xAB, s11;
	v0 =	vmul.u32 @!p4 s17, v0  }
0xd5: {  	p0 =	sgt.u32 @!p5 s12, $0xF  }
0xd6: {  	p2 =	por @!p4 !p0, !p6;
	p0 =	por @!p4 p0, !p6;
	s12 =	sshrl.u32 @!p3 s13, $0xA;
	v0 =	vadd.s32 @!p4 s14, v0  }
0xd7: {  	p0 =	por p0, p4;
	s12 =	sand.u32 @!p3 $0x3F, s12;
	[tilespmem:s18+$0xD0] =	vst @!p4 v0  }
0xd8: {  	s15 =	sadd.s32 $0x1, s11;
	s13 =	simm.s32 @!p0 $0x0;
	s21 =	smul.u32 @!p3 $0x6, s12;
	v0 =	vld @!p4 [tilespmem:$0x60]  }
0xd9: {  	s13 =	simm.s32 @p0 $0x1;
	p0 =	por p2, p4;
	p2 =	seq.s32 s15, $0x53  }
0xda: {  	s23 =	ssub.s32 @!p3 s11, s21;
	s21 =	simm.s32 @!p2 $0x0  }
0xdb: {  	s21 =	simm.s32 @p2 $0x1  }
0xdc: {  	[smem:$0x7F8] =	sst s21  }
0xdd: {  	s31 =	sld [smem:$0x7F8];
	v0 =	vmul.u32 @!p4 s17, v0  }
0xde: {  	p2 =	por $0x1, $0x1  }
0xdf: {  	s26 =	simm.s32 @!p2 $0x0;
	v0 =	vadd.s32 @!p4 s14, v0  }
0xe0: {  	s26 =	simm.s32 @p2 $0x1;
	p2 =	seq.s32 s31, $0x1;
	[tilespmem:s18+$0xE0] =	vst @!p4 v0  }
.Ltmp5:
0xe1: {  	s20 =	sadd.s32 $0xFFFFFFFD, s11;
	v0 =	vld @!p4 [tilespmem:$0x70];
	(pc) =	sbr.rel @p2 .LBB3_7-.Ltmp5, $4  }
0xe2: {  	p1 =	sgt.u32 s20, $0x4C  }
0xe3: {  	s22 =	rddreg [dreg:$0x17];
	s19 =	sshll.u32 @!p5 s16, $0xE;
	s24 =	smul.u32 @!p1 $0xAB, s20  }
0xe4: {  	[smem:$0x7F7] =	sst s13;
	s13 =	sadd.s32 $0x10000, s8;
	s12 =	sadd.s32 $0x2710, s7  }
0xe5: {  	s25 =	simm.s32 @!p0 $0x80;
	s21 =	sadd.s32 @!p5 $0x1, s16;
	[smem:$0x7F9] =	sst s26  }
.LBB3_6:
0xe6: {  	s24 =	sshrl.u32 @!p1 s24, $0xA;
	v0 =	vmul.u32 @!p4 s17, v0;
	s29 =	sld [smem:$0x7F7]  }
0xe7: {  	s26 =	sadd.s32 @!p4 $0x80, s18;
	s17 =	sor.u32 @!p5 $0x480, s19;
	s19 =	sand.u32 @!p3 $0xFF, s23  }
0xe8: {  	p5 =	por p6, p4;
	s30 =	smov.u32 s15;
	s23 =	sand.u32 @!p1 $0x3F, s24;
	v0 =	vadd.s32 @!p4 s14, v0  }
0xe9: {  	s15 =	sadd.s32 $0x1, s15;
	s23 =	smul.u32 @!p1 $0x6, s23;
	p2 =	seq.s32 s29, $0x1;
	[tilespmem:s18+$0xF0] =	vst @!p4 v0  }
0xea: {  	[tilespmem:s17], [sflag:s21] =	stream.indirect.gather @!p0 [hbm4b:s22+s25], $0x80, s26, s25, $0xb8;
	[tilespmem:$0x18480] =	vst v63  }
0xeb: {  	s18 =	rddreg [dreg:$0x18];
	s14 =	simm.s32 @!p2 $0x80;
	p0 =	seq.s32 s15, $0x53  }
0xec: {  	[tilespmem:s17], [sflag:s21] =	stream.indirect.gather @!p2 [hbm4b:s18+s14], $0x80, s26, s14, $0xb8;
	[tilespmem:$0x18480] =	vst v63  }
0xed: {  	s24 =	rddreg [dreg:$0x19];
	s16 =	sadd.s32 @!p5 $0x1, s16;
	s14 =	simm.s32 @!p0 $0x0  }
0xee: {  	s28 =	simm.s32 @!p5 $0x480;
	s20 =	ssub.s32 @!p1 s20, s23;
	s14 =	simm.s32 @p0 $0x1  }
0xef: {  	s17 =	simm.s32 @!p5 $0x80;
	s18 =	sadd.s32 @!p3 $0x7, s19;
	[smem:$0x7F6] =	sst s14  }
0xf0: {  	[tilespmem:s28], [sflag:s16] =	stream.indirect.gather @!p5 [hbm4b:s24+s17], $0x80, s26, s17, $0xb8;
	[tilespmem:$0x18480] =	vst v63  }
0xf1: {  	s14 =	sand.u32 @!p1 $0xFF, s20;
	_ =	swait.ge @!p3 [sflag:s18], $0x4000  }
0xf2: {  	s19 =	sadd.s32 @!p1 $0x7, s14;
	[sflag:s18] =	ssyncset.done @!p3 $0x0  }
0xf3: {  	s20 =	sshll.u32 @!p1 s14, $0xE;
	s14 =	sadd.s32 @!p1 $0x1, s14;
	[sflag:s18] =	ssyncadd.s32 @!p3 $0xFFFFC000  }
0xf4: {  	_ =	swait.ge @!p1 [sflag:s14], $0x4000  }
0xf5: {  	p4 =	sgt.u32 s11, $0x4C;
	s17 =	simm.s32 @!p1 $0x0;
	[sflag:s14] =	ssyncset.done @!p1 $0x0  }
0xf6: {  	s16 =	sor.u32 @!p1 $0x480, s20;
	s18 =	smul.u32 @!p4 $0xAB, s11;
	[sflag:s14] =	ssyncadd.s32 @!p1 $0xFFFFC000  }
0xf7: {  	[hbm4b:s13+s17] =	stream.linear.scatter @!p1 [tilespmem:s16], [sflag:s19], $0x4000, $0x38;
	[tilespmem:$0x18480] =	vst v63  }
0xf8: {  	v0 =	vld @!p4 [tilespmem:$0x0]  }
0xf9: {  	s20 =	sadd.s32 @!p4 $0xFFFFFFFF, s11;
	s14 =	sshrl.u32 @!p4 s18, $0xA  }
0xfa: {  	p0 =	slt.u32 @!p4 s20, $0x10;
	s16 =	sand.u32 @!p4 $0x3F, s14  }
0xfb: {  	p0 =	por !p0, p4;
	s17 =	simm.s32 @!p4 $0x10;
	s16 =	smul.u32 @!p4 $0x6, s16  }
0xfc: {  	p2 =	seq.s32 @!p4 s11, $0x0;
	s14 =	smov.u32 s20;
	s17 =	simm.s32 @p0 $0x1  }
0xfd: {  	p1 =	por !p2, p4;
	s14 =	smov.u32 @p0 s12;
	s16 =	ssub.s32 @!p4 s11, s16;
	v0 =	vmul.u32 @!p4 s17, v0  }
0xfe: {  	s14 =	simm.s32 @!p1 $0x0;
	s16 =	sand.u32 @!p4 $0xFF, s16  }
0xff: {  	s18 =	sshll.u32 @!p4 s16, $0x7;
	v0 =	vadd.s32 @!p4 s14, v0  }
0x100: {  	[tilespmem:s18+$0x80] =	vst @!p4 v0  }
0x101: {  	v0 =	vld @!p4 [tilespmem:$0x10];
	_ =	sdelay $0x4  }
0x102: {  	v0 =	vmul.u32 @!p4 s17, v0;
	_ =	sdelay $0x1  }
0x103: {  	v0 =	vadd.s32 @!p4 s14, v0  }
0x104: {  	[tilespmem:s18+$0x90] =	vst @!p4 v0  }
0x105: {  	v0 =	vld @!p4 [tilespmem:$0x20];
	_ =	sdelay $0x4  }
0x106: {  	v0 =	vmul.u32 @!p4 s17, v0;
	_ =	sdelay $0x1  }
0x107: {  	v0 =	vadd.s32 @!p4 s14, v0  }
0x108: {  	[tilespmem:s18+$0xA0] =	vst @!p4 v0  }
0x109: {  	v0 =	vld @!p4 [tilespmem:$0x30];
	_ =	sdelay $0x4  }
0x10a: {  	v0 =	vmul.u32 @!p4 s17, v0;
	_ =	sdelay $0x1  }
0x10b: {  	v0 =	vadd.s32 @!p4 s14, v0  }
0x10c: {  	[tilespmem:s18+$0xB0] =	vst @!p4 v0  }
0x10d: {  	v0 =	vld @!p4 [tilespmem:$0x40];
	_ =	sdelay $0x4  }
0x10e: {  	v0 =	vmul.u32 @!p4 s17, v0;
	_ =	sdelay $0x1  }
0x10f: {  	v0 =	vadd.s32 @!p4 s14, v0  }
0x110: {  	[tilespmem:s18+$0xC0] =	vst @!p4 v0  }
0x111: {  	v0 =	vld @!p4 [tilespmem:$0x50];
	_ =	sdelay $0x4  }
0x112: {  	p6 =	sne.s32 @!p4 s11, $0x0;
	v0 =	vmul.u32 @!p4 s17, v0  }
0x113: {  	p5 =	por !p6, p4  }
0x114: {  	p1 =	sgt.u32 @!p5 s20, $0xF;
	v0 =	vadd.s32 @!p4 s14, v0  }
0x115: {  	p0 =	por @!p4 !p1, !p6;
	p1 =	por @!p4 p1, !p6;
	[tilespmem:s18+$0xD0] =	vst @!p4 v0  }
0x116: {  	p1 =	por p1, p4;
	v0 =	vld @!p4 [tilespmem:$0x60]  }
0x117: {  	s31 =	sld [smem:$0x7F6];
	s11 =	smov.u32 s30;
	s20 =	simm.s32 @!p1 $0x0  }
0x118: {  	p3 =	slt.u32 s11, $0x6;
	s20 =	simm.s32 @p1 $0x1  }
0x119: {  	[smem:$0x7F7] =	sst s20;
	s20 =	smul.u32 @!p3 $0xAB, s11  }
0x11a: {  	p2 =	seq.s32 s31, $0x1  }
.Ltmp6:
0x11b: {  	s22 =	rddreg [dreg:$0x17];
	s20 =	sshrl.u32 @!p3 s20, $0xA;
	v0 =	vmul.u32 @!p4 s17, v0;
	(pc) =	sbr.rel @!p2 .LBB3_6-.Ltmp6, $4  }
0x11c: {  	s13 =	sadd.s32 $0x10000, s13;
	s12 =	sadd.s32 $0x2710, s12;
	s21 =	sand.u32 @!p3 $0x3F, s20  }
0x11d: {  	p0 =	por p0, p4;
	s20 =	sadd.s32 $0xFFFFFFFD, s11;
	s21 =	smul.u32 @!p3 $0x6, s21;
	v0 =	vadd.s32 @!p4 s14, v0  }
0x11e: {  	s19 =	sshll.u32 @!p5 s16, $0xE;
	s25 =	simm.s32 @!p0 $0x80;
	p1 =	sgt.u32 s20, $0x4C;
	[tilespmem:s18+$0xE0] =	vst @!p4 v0  }
0x11f: {  	s24 =	smul.u32 @!p1 $0xAB, s20;
	s23 =	ssub.s32 @!p3 s11, s21;
	s21 =	sadd.s32 @!p5 $0x1, s16;
	v0 =	vld @!p4 [tilespmem:$0x70]  }
.Ltmp7:
0x120: {  	_ = 	snop;
	(pc) =	sbr.rel .LBB3_7-.Ltmp7, $1  }
0x121: {  	_ =	sdelay $0x3  }
.LBB3_11:
0x122: {  	s12 =	sld [smem:$0x7FC];
	_ =	sdelay $0x2  }
0x123: {  	p0 =	seq.s32 s12, $0x1  }
.Ltmp8:
0x124: {  	_ = 	snop;
	(pc) =	sbr.rel @!p0 .LBB3_15-.Ltmp8, $1  }
0x125: {  	_ =	sdelay $0x3  }
0x126: {  	p1 =	por $0x1, $0x1  }
0x127: {  	s12 =	smul.u32 @!p1 $0xAB, s1;
	_ =	sdelay $0x1  }
0x128: {  	s13 =	simm.s32 $0xFFFFFFFD;
	p0 =	por $0x1, $0x1;
	s12 =	sshrl.u32 @!p1 s12, $0xA  }
0x129: {  	s13 =	smul.u32 @!p0 $0xAB, s13;
	s12 =	sand.u32 @!p1 $0x3F, s12  }
0x12a: {  	s12 =	smul.u32 @!p1 $0x6, s12  }
0x12b: {  	s13 =	sshrl.u32 @!p0 s13, $0xA  }
0x12c: {  	s13 =	sand.u32 @!p0 $0x3F, s13;
	s12 =	ssub.s32 @!p1 $0x0, s12  }
0x12d: {  	s13 =	smul.u32 @!p0 $0x6, s13;
	s12 =	sand.u32 @!p1 $0xFF, s12  }
0x12e: {  	s12 =	sadd.s32 @!p1 $0x7, s12  }
0x12f: {  	s13 =	ssub.s32 @!p0 $0xFFFFFFFD, s13;
	_ =	swait.ge @!p1 [sflag:s12], $0x4000  }
0x130: {  	s13 =	sand.u32 @!p0 $0xFF, s13;
	[sflag:s12] =	ssyncset.done @!p1 $0x0  }
0x131: {  	[sflag:s12] =	ssyncadd.s32 @!p1 $0xFFFFC000;
	s12 =	sadd.s32 @!p0 $0x1, s13  }
0x132: {  	p4 =	por $0x0, $0x0;
	s15 =	simm.s32 @!p0 $0x0;
	_ =	swait.ge @!p0 [sflag:s12], $0x4000  }
0x133: {  	s14 =	sadd.s32 @!p0 $0x7, s13;
	s13 =	sshll.u32 @!p0 s13, $0xE;
	[sflag:s12] =	ssyncset.done @!p0 $0x0  }
0x134: {  	s16 =	smul.u32 @!p4 $0xAB, s1;
	s13 =	sor.u32 @!p0 $0x480, s13;
	[sflag:s12] =	ssyncadd.s32 @!p0 $0xFFFFC000  }
0x135: {  	[hbm4b:s5+s15] =	stream.linear.scatter @!p0 [tilespmem:s13], [sflag:s14], $0x4000, $0x38;
	[tilespmem:$0x18480] =	vst v63  }
0x136: {  	v0 =	vld @!p4 [tilespmem:$0x0]  }
0x137: {  	s12 =	sshrl.u32 @!p4 s16, $0xA  }
0x138: {  	p0 =	por @!p4 $0x0, $0x0;
	s12 =	sand.u32 @!p4 $0x3F, s12  }
0x139: {  	s17 =	simm.s32 @!p4 $0x10;
	p0 =	por !p0, p4;
	s12 =	smul.u32 @!p4 $0x6, s12  }
0x13a: {  	p1 =	por @!p4 $0x1, $0x1;
	s15 =	simm.s32 @!p4 $0xFFFFFFFF;
	s17 =	simm.s32 @p0 $0x1  }
0x13b: {  	p1 =	por !p1, p4;
	s15 =	smov.u32 @p0 s11;
	s11 =	ssub.s32 @!p4 $0x0, s12;
	v0 =	vmul.u32 @!p4 s17, v0  }
0x13c: {  	s15 =	simm.s32 @!p1 $0x0;
	s16 =	sand.u32 @!p4 $0xFF, s11  }
0x13d: {  	s18 =	sshll.u32 @!p4 s16, $0x7;
	v0 =	vadd.s32 @!p4 s15, v0  }
0x13e: {  	[tilespmem:s18+$0x80] =	vst @!p4 v0  }
0x13f: {  	v0 =	vld @!p4 [tilespmem:$0x10];
	_ =	sdelay $0x4  }
0x140: {  	v0 =	vmul.u32 @!p4 s17, v0;
	_ =	sdelay $0x1  }
0x141: {  	v0 =	vadd.s32 @!p4 s15, v0  }
0x142: {  	[tilespmem:s18+$0x90] =	vst @!p4 v0  }
0x143: {  	v0 =	vld @!p4 [tilespmem:$0x20];
	_ =	sdelay $0x4  }
0x144: {  	v0 =	vmul.u32 @!p4 s17, v0;
	_ =	sdelay $0x1  }
0x145: {  	v0 =	vadd.s32 @!p4 s15, v0  }
0x146: {  	[tilespmem:s18+$0xA0] =	vst @!p4 v0  }
0x147: {  	v0 =	vld @!p4 [tilespmem:$0x30];
	_ =	sdelay $0x4  }
0x148: {  	v0 =	vmul.u32 @!p4 s17, v0;
	_ =	sdelay $0x1  }
0x149: {  	v0 =	vadd.s32 @!p4 s15, v0  }
0x14a: {  	[tilespmem:s18+$0xB0] =	vst @!p4 v0  }
0x14b: {  	v0 =	vld @!p4 [tilespmem:$0x40];
	_ =	sdelay $0x4  }
0x14c: {  	v0 =	vmul.u32 @!p4 s17, v0;
	_ =	sdelay $0x1  }
0x14d: {  	v0 =	vadd.s32 @!p4 s15, v0  }
0x14e: {  	[tilespmem:s18+$0xC0] =	vst @!p4 v0  }
0x14f: {  	v0 =	vld @!p4 [tilespmem:$0x50];
	_ =	sdelay $0x4  }
0x150: {  	v0 =	vmul.u32 @!p4 s17, v0  }
0x151: {  	p1 =	por @!p4 $0x0, $0x0  }
0x152: {  	p3 =	por !p1, p4;
	v0 =	vadd.s32 @!p4 s15, v0  }
0x153: {  	p0 =	por @!p3 $0x1, $0x1;
	[tilespmem:s18+$0xD0] =	vst @!p4 v0  }
0x154: {  	p5 =	por $0x1, $0x1;
	p2 =	por @!p4 p0, !p1;
	p0 =	por @!p4 !p0, !p1;
	v0 =	vld @!p4 [tilespmem:$0x60]  }
0x155: {  	s20 =	simm.s32 $0xFFFFFFFE;
	s11 =	simm.s32 $0x1;
	s13 =	simm.s32 @!p0 $0x0  }
0x156: {  	p6 =	por $0x1, $0x1;
	s12 =	smul.u32 @!p5 $0xAB, s11;
	s13 =	simm.s32 @p0 $0x1  }
0x157: {  	s25 =	smul.u32 @!p6 $0xAB, s20;
	[smem:$0x7F0] =	sst s13  }
0x158: {  	s12 =	sshrl.u32 @!p5 s12, $0xA;
	p0 =	por p2, p4;
	s22 =	sld [smem:$0x7F0]  }
0x159: {  	s14 =	simm.s32 $0x2;
	s12 =	sand.u32 @!p5 $0x3F, s12;
	s13 =	simm.s32 @!p0 $0x0;
	v0 =	vmul.u32 @!p4 s17, v0  }
0x15a: {  	s19 =	sshll.u32 @!p3 s16, $0xE;
	s21 =	smul.u32 @!p5 $0x6, s12;
	s13 =	simm.s32 @p0 $0x1  }
0x15b: {  	s12 =	simm.s32 $0xFFFD8F00;
	[smem:$0x7EF] =	sst s13;
	p2 =	seq.s32 s22, $0x1;
	v0 =	vadd.s32 @!p4 s15, v0  }
0x15c: {  	s13 =	sadd.s32 $0x10000, s5;
	s24 =	ssub.s32 @!p5 $0x1, s21;
	p2 =	por p2, p4;
	[tilespmem:s18+$0xE0] =	vst @!p4 v0  }
0x15d: {  	s21 =	sadd.s32 @!p3 $0x1, s16;
	s22 =	rddreg [dreg:$0xe];
	s23 =	simm.s32 @!p2 $0x80;
	v0 =	vld @!p4 [tilespmem:$0x70]  }
.LBB3_13:
0x15e: {  	_ =	sdelay $0x3  }
0x15f: {  	s29 =	sld [smem:$0x7EF];
	v0 =	vmul.u32 @!p4 s17, v0  }
0x160: {  	s26 =	sadd.s32 @!p4 $0x80, s18  }
0x161: {  	p1 =	por p1, p4;
	s30 =	smov.u32 s14;
	s14 =	sadd.s32 $0x1, s14;
	v0 =	vadd.s32 @!p4 s15, v0  }
0x162: {  	s25 =	sshrl.u32 @!p6 s25, $0xA;
	p0 =	seq.s32 s29, $0x1;
	s17 =	sor.u32 @!p3 $0x480, s19;
	[tilespmem:s18+$0xF0] =	vst @!p4 v0  }
0x163: {  	[tilespmem:s17], [sflag:s21] =	stream.indirect.gather @!p2 [hbm4b:s22+s23], $0x80, s26, s23, $0xb8;
	[tilespmem:$0x18480] =	vst v63  }
0x164: {  	s16 =	sadd.s32 @!p1 $0x1, s16;
	s15 =	simm.s32 @!p0 $0x80;
	s18 =	rddreg [dreg:$0xf]  }
0x165: {  	[tilespmem:s17], [sflag:s21] =	stream.indirect.gather @!p0 [hbm4b:s18+s15], $0x80, s26, s15, $0xb8;
	[tilespmem:$0x18480] =	vst v63  }
0x166: {  	s28 =	simm.s32 @!p1 $0x480;
	s19 =	sand.u32 @!p5 $0xFF, s24;
	p0 =	sne.s32 s14, $0x53  }
0x167: {  	s24 =	sand.u32 @!p6 $0x3F, s25;
	s25 =	rddreg [dreg:$0x10];
	s15 =	simm.s32 @!p0 $0x0  }
0x168: {  	s24 =	smul.u32 @!p6 $0x6, s24;
	s17 =	simm.s32 @!p1 $0x80;
	s15 =	simm.s32 @p0 $0x1  }
0x169: {  	[tilespmem:s28], [sflag:s16] =	stream.indirect.gather @!p1 [hbm4b:s25+s17], $0x80, s26, s17, $0xb8;
	[tilespmem:$0x18480] =	vst v63  }
0x16a: {  	s20 =	ssub.s32 @!p6 s20, s24;
	s18 =	sadd.s32 @!p5 $0x7, s19;
	[smem:$0x7EE] =	sst s15  }
0x16b: {  	s15 =	sand.u32 @!p6 $0xFF, s20;
	_ =	swait.ge @!p5 [sflag:s18], $0x4000  }
0x16c: {  	s19 =	sadd.s32 @!p6 $0x7, s15;
	[sflag:s18] =	ssyncset.done @!p5 $0x0  }
0x16d: {  	s20 =	sshll.u32 @!p6 s15, $0xE;
	s15 =	sadd.s32 @!p6 $0x1, s15;
	[sflag:s18] =	ssyncadd.s32 @!p5 $0xFFFFC000  }
0x16e: {  	_ =	swait.ge @!p6 [sflag:s15], $0x4000  }
0x16f: {  	p4 =	sgt.u32 s11, $0x4C;
	s17 =	simm.s32 @!p6 $0x0;
	[sflag:s15] =	ssyncset.done @!p6 $0x0  }
0x170: {  	s16 =	sor.u32 @!p6 $0x480, s20;
	s18 =	smul.u32 @!p4 $0xAB, s11;
	[sflag:s15] =	ssyncadd.s32 @!p6 $0xFFFFC000  }
0x171: {  	[hbm4b:s13+s17] =	stream.linear.scatter @!p6 [tilespmem:s16], [sflag:s19], $0x4000, $0x38;
	[tilespmem:$0x18480] =	vst v63  }
0x172: {  	v0 =	vld @!p4 [tilespmem:$0x0]  }
0x173: {  	s20 =	sadd.s32 @!p4 $0xFFFFFFFF, s11;
	s15 =	sshrl.u32 @!p4 s18, $0xA  }
0x174: {  	p0 =	slt.u32 @!p4 s20, $0x10;
	s16 =	sand.u32 @!p4 $0x3F, s15  }
0x175: {  	p0 =	por !p0, p4;
	s17 =	simm.s32 @!p4 $0x10;
	s16 =	smul.u32 @!p4 $0x6, s16  }
0x176: {  	p1 =	seq.s32 @!p4 s11, $0x0;
	s15 =	smov.u32 s20;
	s17 =	simm.s32 @p0 $0x1  }
0x177: {  	p2 =	por !p1, p4;
	s15 =	smov.u32 @p0 s12;
	s16 =	ssub.s32 @!p4 s11, s16;
	v0 =	vmul.u32 @!p4 s17, v0  }
0x178: {  	s15 =	simm.s32 @!p2 $0x0;
	s16 =	sand.u32 @!p4 $0xFF, s16  }
0x179: {  	s18 =	sshll.u32 @!p4 s16, $0x7;
	v0 =	vadd.s32 @!p4 s15, v0  }
0x17a: {  	[tilespmem:s18+$0x80] =	vst @!p4 v0  }
0x17b: {  	v0 =	vld @!p4 [tilespmem:$0x10];
	_ =	sdelay $0x4  }
0x17c: {  	v0 =	vmul.u32 @!p4 s17, v0;
	_ =	sdelay $0x1  }
0x17d: {  	v0 =	vadd.s32 @!p4 s15, v0  }
0x17e: {  	[tilespmem:s18+$0x90] =	vst @!p4 v0  }
0x17f: {  	v0 =	vld @!p4 [tilespmem:$0x20];
	_ =	sdelay $0x4  }
0x180: {  	v0 =	vmul.u32 @!p4 s17, v0;
	_ =	sdelay $0x1  }
0x181: {  	v0 =	vadd.s32 @!p4 s15, v0  }
0x182: {  	[tilespmem:s18+$0xA0] =	vst @!p4 v0  }
0x183: {  	v0 =	vld @!p4 [tilespmem:$0x30];
	_ =	sdelay $0x4  }
0x184: {  	v0 =	vmul.u32 @!p4 s17, v0;
	_ =	sdelay $0x1  }
0x185: {  	v0 =	vadd.s32 @!p4 s15, v0  }
0x186: {  	[tilespmem:s18+$0xB0] =	vst @!p4 v0  }
0x187: {  	v0 =	vld @!p4 [tilespmem:$0x40];
	_ =	sdelay $0x4  }
0x188: {  	v0 =	vmul.u32 @!p4 s17, v0;
	_ =	sdelay $0x1  }
0x189: {  	v0 =	vadd.s32 @!p4 s15, v0  }
0x18a: {  	[tilespmem:s18+$0xC0] =	vst @!p4 v0  }
0x18b: {  	v0 =	vld @!p4 [tilespmem:$0x50];
	_ =	sdelay $0x4  }
0x18c: {  	p1 =	sne.s32 @!p4 s11, $0x0;
	v0 =	vmul.u32 @!p4 s17, v0  }
0x18d: {  	p3 =	por !p1, p4  }
0x18e: {  	p0 =	sgt.u32 @!p3 s20, $0xF;
	v0 =	vadd.s32 @!p4 s15, v0  }
0x18f: {  	p2 =	por @!p4 !p0, !p1;
	p0 =	por @!p4 p0, !p1;
	[tilespmem:s18+$0xD0] =	vst @!p4 v0  }
0x190: {  	p0 =	por p0, p4;
	v0 =	vld @!p4 [tilespmem:$0x60]  }
0x191: {  	s31 =	sld [smem:$0x7EE];
	s11 =	smov.u32 s30;
	s20 =	simm.s32 @!p0 $0x0  }
0x192: {  	p5 =	slt.u32 s11, $0x6;
	s20 =	simm.s32 @p0 $0x1  }
0x193: {  	[smem:$0x7EF] =	sst s20;
	s20 =	smul.u32 @!p5 $0xAB, s11  }
0x194: {  	p0 =	seq.s32 s31, $0x1  }
.Ltmp9:
0x195: {  	s22 =	rddreg [dreg:$0xe];
	s20 =	sshrl.u32 @!p5 s20, $0xA;
	v0 =	vmul.u32 @!p4 s17, v0;
	(pc) =	sbr.rel @p0 .LBB3_13-.Ltmp9, $4  }
0x196: {  	s13 =	sadd.s32 $0x10000, s13;
	s12 =	sadd.s32 $0x2710, s12;
	s21 =	sand.u32 @!p5 $0x3F, s20  }
0x197: {  	p2 =	por p2, p4;
	s20 =	sadd.s32 $0xFFFFFFFD, s11;
	s21 =	smul.u32 @!p5 $0x6, s21;
	v0 =	vadd.s32 @!p4 s15, v0  }
0x198: {  	s23 =	simm.s32 @!p2 $0x80;
	s19 =	sshll.u32 @!p3 s16, $0xE;
	p6 =	sgt.u32 s20, $0x4C;
	[tilespmem:s18+$0xE0] =	vst @!p4 v0  }
0x199: {  	s25 =	smul.u32 @!p6 $0xAB, s20;
	s24 =	ssub.s32 @!p5 s11, s21;
	s21 =	sadd.s32 @!p3 $0x1, s16;
	v0 =	vld @!p4 [tilespmem:$0x70]  }
0x19a: {  	_ =	sdelay $0x2  }
0x19b: {  	s30 =	sld [smem:$0x7EF]  }
0x19c: {  	v0 =	vmul.u32 @!p4 s17, v0  }
0x19d: {  	s14 =	sor.u32 @!p3 $0x480, s19;
	s19 =	sadd.s32 @!p4 $0x80, s18;
	p1 =	por p1, p4  }
0x19e: {  	s16 =	sadd.s32 @!p1 $0x1, s16;
	p0 =	seq.s32 s30, $0x1;
	s17 =	sshrl.u32 @!p6 s25, $0xA;
	v0 =	vadd.s32 @!p4 s15, v0  }
0x19f: {  	s25 =	rddreg [dreg:$0x10];
	s17 =	sand.u32 @!p6 $0x3F, s17;
	s15 =	sand.u32 @!p5 $0xFF, s24;
	[tilespmem:s18+$0xF0] =	vst @!p4 v0  }
0x1a0: {  	[tilespmem:s14], [sflag:s21] =	stream.indirect.gather @!p2 [hbm4b:s22+s23], $0x80, s19, s23, $0xb8;
	[tilespmem:$0x18480] =	vst v63  }
0x1a1: {  	s17 =	smul.u32 @!p6 $0x6, s17;
	s18 =	rddreg [dreg:$0xf];
	s22 =	simm.s32 @!p0 $0x80  }
0x1a2: {  	[tilespmem:s14], [sflag:s21] =	stream.indirect.gather @!p0 [hbm4b:s18+s22], $0x80, s19, s22, $0xb8;
	[tilespmem:$0x18480] =	vst v63  }
0x1a3: {  	s15 =	sadd.s32 @!p5 $0x7, s15;
	s14 =	simm.s32 @!p1 $0x480;
	s18 =	simm.s32 @!p1 $0x80  }
0x1a4: {  	[tilespmem:s14], [sflag:s16] =	stream.indirect.gather @!p1 [hbm4b:s25+s18], $0x80, s19, s18, $0xb8;
	[tilespmem:$0x18480] =	vst v63  }
0x1a5: {  	s14 =	ssub.s32 @!p6 s20, s17;
	_ =	swait.ge @!p5 [sflag:s15], $0x4000  }
0x1a6: {  	s14 =	sand.u32 @!p6 $0xFF, s14;
	[sflag:s15] =	ssyncset.done @!p5 $0x0  }
0x1a7: {  	[sflag:s15] =	ssyncadd.s32 @!p5 $0xFFFFC000;
	s15 =	sadd.s32 @!p6 $0x1, s14  }
0x1a8: {  	p0 =	sgt.u32 s11, $0x4C;
	s17 =	simm.s32 @!p6 $0x0;
	_ =	swait.ge @!p6 [sflag:s15], $0x4000  }
0x1a9: {  	s16 =	sadd.s32 @!p6 $0x7, s14;
	s14 =	sshll.u32 @!p6 s14, $0xE;
	[sflag:s15] =	ssyncset.done @!p6 $0x0  }
0x1aa: {  	s18 =	smul.u32 @!p0 $0xAB, s11;
	s14 =	sor.u32 @!p6 $0x480, s14;
	[sflag:s15] =	ssyncadd.s32 @!p6 $0xFFFFC000  }
0x1ab: {  	[hbm4b:s13+s17] =	stream.linear.scatter @!p6 [tilespmem:s14], [sflag:s16], $0x4000, $0x38;
	[tilespmem:$0x18480] =	vst v63  }
0x1ac: {  	v0 =	vld @!p0 [tilespmem:$0x0]  }
0x1ad: {  	s13 =	sadd.s32 @!p0 $0xFFFFFFFF, s11;
	s14 =	sshrl.u32 @!p0 s18, $0xA  }
0x1ae: {  	p1 =	slt.u32 @!p0 s13, $0x10;
	s14 =	sand.u32 @!p0 $0x3F, s14  }
0x1af: {  	s15 =	simm.s32 @!p0 $0x10;
	p1 =	por !p1, p0;
	s14 =	smul.u32 @!p0 $0x6, s14  }
0x1b0: {  	p2 =	seq.s32 @!p0 s11, $0x0;
	s16 =	smov.u32 s13;
	s15 =	simm.s32 @p1 $0x1  }
0x1b1: {  	p2 =	por !p2, p0;
	s16 =	smov.u32 @p1 s12;
	s12 =	ssub.s32 @!p0 s11, s14;
	v0 =	vmul.u32 @!p0 s15, v0  }
0x1b2: {  	s16 =	simm.s32 @!p2 $0x0;
	s12 =	sand.u32 @!p0 $0xFF, s12  }
0x1b3: {  	s14 =	sshll.u32 @!p0 s12, $0x7;
	v0 =	vadd.s32 @!p0 s16, v0  }
0x1b4: {  	[tilespmem:s14+$0x80] =	vst @!p0 v0  }
0x1b5: {  	v0 =	vld @!p0 [tilespmem:$0x10];
	_ =	sdelay $0x4  }
0x1b6: {  	v0 =	vmul.u32 @!p0 s15, v0;
	_ =	sdelay $0x1  }
0x1b7: {  	v0 =	vadd.s32 @!p0 s16, v0  }
0x1b8: {  	[tilespmem:s14+$0x90] =	vst @!p0 v0  }
0x1b9: {  	v0 =	vld @!p0 [tilespmem:$0x20];
	_ =	sdelay $0x4  }
0x1ba: {  	v0 =	vmul.u32 @!p0 s15, v0;
	_ =	sdelay $0x1  }
0x1bb: {  	v0 =	vadd.s32 @!p0 s16, v0  }
0x1bc: {  	[tilespmem:s14+$0xA0] =	vst @!p0 v0  }
0x1bd: {  	v0 =	vld @!p0 [tilespmem:$0x30];
	_ =	sdelay $0x4  }
0x1be: {  	v0 =	vmul.u32 @!p0 s15, v0;
	_ =	sdelay $0x1  }
0x1bf: {  	v0 =	vadd.s32 @!p0 s16, v0  }
0x1c0: {  	[tilespmem:s14+$0xB0] =	vst @!p0 v0  }
0x1c1: {  	v0 =	vld @!p0 [tilespmem:$0x40];
	_ =	sdelay $0x4  }
0x1c2: {  	v0 =	vmul.u32 @!p0 s15, v0;
	_ =	sdelay $0x1  }
0x1c3: {  	v0 =	vadd.s32 @!p0 s16, v0  }
0x1c4: {  	[tilespmem:s14+$0xC0] =	vst @!p0 v0  }
0x1c5: {  	v0 =	vld @!p0 [tilespmem:$0x50];
	_ =	sdelay $0x4  }
0x1c6: {  	v0 =	vmul.u32 @!p0 s15, v0;
	_ =	sdelay $0x1  }
0x1c7: {  	v0 =	vadd.s32 @!p0 s16, v0  }
0x1c8: {  	[tilespmem:s14+$0xD0] =	vst @!p0 v0  }
0x1c9: {  	v0 =	vld @!p0 [tilespmem:$0x60];
	_ =	sdelay $0x4  }
0x1ca: {  	v0 =	vmul.u32 @!p0 s15, v0;
	_ =	sdelay $0x1  }
0x1cb: {  	v0 =	vadd.s32 @!p0 s16, v0  }
0x1cc: {  	[tilespmem:s14+$0xE0] =	vst @!p0 v0  }
0x1cd: {  	v0 =	vld @!p0 [tilespmem:$0x70];
	_ =	sdelay $0x1  }
0x1ce: {  	p1 =	sne.s32 @!p0 s11, $0x0  }
0x1cf: {  	p2 =	por !p1, p0  }
0x1d0: {  	p3 =	sgt.u32 @!p2 s13, $0xF  }
0x1d1: {  	s31 =	sld [smem:$0x7FD];
	p4 =	por @!p0 !p3, !p1;
	s13 =	sshll.u32 @!p2 s12, $0xE;
	v0 =	vmul.u32 @!p0 s15, v0  }
0x1d2: {  	s11 =	rddreg [dreg:$0xe];
	p4 =	por p4, p0;
	s13 =	sor.u32 @!p2 $0x480, s13  }
0x1d3: {  	s17 =	sadd.s32 @!p0 $0x80, s14;
	s15 =	sadd.s32 @!p2 $0x1, s12;
	p2 =	por @!p0 p3, !p1;
	v0 =	vadd.s32 @!p0 s16, v0  }
0x1d4: {  	p2 =	por p2, p0;
	s16 =	simm.s32 @!p4 $0x80;
	[tilespmem:s14+$0xF0] =	vst @!p0 v0;
	s14 =	rddreg [dreg:$0x10]  }
0x1d5: {  	[tilespmem:s13], [sflag:s15] =	stream.indirect.gather @!p4 [hbm4b:s11+s16], $0x80, s17, s16, $0xb8;
	[tilespmem:$0x18480] =	vst v63  }
0x1d6: {  	p0 =	por p1, p0;
	s11 =	rddreg [dreg:$0xf];
	s16 =	simm.s32 @!p2 $0x80  }
0x1d7: {  	[tilespmem:s13], [sflag:s15] =	stream.indirect.gather @!p2 [hbm4b:s11+s16], $0x80, s17, s16, $0xb8;
	[tilespmem:$0x18480] =	vst v63  }
0x1d8: {  	s11 =	sadd.s32 @!p0 $0x1, s12;
	s12 =	simm.s32 @!p0 $0x480;
	s13 =	simm.s32 @!p0 $0x80  }
0x1d9: {  	[tilespmem:s12], [sflag:s11] =	stream.indirect.gather @!p0 [hbm4b:s14+s13], $0x80, s17, s13, $0xb8;
	[tilespmem:$0x18480] =	vst v63  }
0x1da: {  	p0 =	seq.s32 s31, $0x1  }
.Ltmp10:
0x1db: {  	_ = 	snop;
	(pc) =	sbr.rel @p0 .LBB3_18-.Ltmp10, $1  }
0x1dc: {  	_ =	sdelay $0x3  }
.LBB3_15:
0x1dd: {  	s11 =	simm.s32 $0x0;
	p1 =	por $0x1, $0x1  }
0x1de: {  	s12 =	smul.u32 @!p1 $0xAB, s11;
	_ =	sdelay $0x1  }
0x1df: {  	s13 =	simm.s32 $0xFFFFFFFD;
	p0 =	por $0x1, $0x1;
	s12 =	sshrl.u32 @!p1 s12, $0xA  }
0x1e0: {  	s13 =	smul.u32 @!p0 $0xAB, s13;
	s12 =	sand.u32 @!p1 $0x3F, s12  }
0x1e1: {  	s12 =	smul.u32 @!p1 $0x6, s12  }
0x1e2: {  	s13 =	sshrl.u32 @!p0 s13, $0xA  }
0x1e3: {  	s13 =	sand.u32 @!p0 $0x3F, s13;
	s12 =	ssub.s32 @!p1 $0x0, s12  }
0x1e4: {  	s13 =	smul.u32 @!p0 $0x6, s13;
	s12 =	sand.u32 @!p1 $0xFF, s12  }
0x1e5: {  	s12 =	sadd.s32 @!p1 $0x7, s12  }
0x1e6: {  	s13 =	ssub.s32 @!p0 $0xFFFFFFFD, s13;
	_ =	swait.ge @!p1 [sflag:s12], $0x4000  }
0x1e7: {  	s13 =	sand.u32 @!p0 $0xFF, s13;
	[sflag:s12] =	ssyncset.done @!p1 $0x0  }
0x1e8: {  	[sflag:s12] =	ssyncadd.s32 @!p1 $0xFFFFC000;
	s12 =	sadd.s32 @!p0 $0x1, s13  }
0x1e9: {  	p4 =	por $0x0, $0x0;
	s15 =	simm.s32 @!p0 $0x0;
	_ =	swait.ge @!p0 [sflag:s12], $0x4000  }
0x1ea: {  	s14 =	sadd.s32 @!p0 $0x7, s13;
	s13 =	sshll.u32 @!p0 s13, $0xE;
	[sflag:s12] =	ssyncset.done @!p0 $0x0  }
0x1eb: {  	s11 =	smul.u32 @!p4 $0xAB, s11;
	s13 =	sor.u32 @!p0 $0x480, s13;
	[sflag:s12] =	ssyncadd.s32 @!p0 $0xFFFFC000  }
0x1ec: {  	[hbm4b:s5+s15] =	stream.linear.scatter @!p0 [tilespmem:s13], [sflag:s14], $0x4000, $0x38;
	[tilespmem:$0x18480] =	vst v63  }
0x1ed: {  	v0 =	vld @!p4 [tilespmem:$0x0]  }
0x1ee: {  	s11 =	sshrl.u32 @!p4 s11, $0xA  }
0x1ef: {  	s17 =	simm.s32 @!p4 $0x10;
	s11 =	sand.u32 @!p4 $0x3F, s11;
	p0 =	por @!p4 $0x0, $0x0  }
0x1f0: {  	s11 =	smul.u32 @!p4 $0x6, s11;
	p1 =	por @!p4 $0x1, $0x1;
	p0 =	por !p0, p4  }
0x1f1: {  	s12 =	simm.s32 $0xFFFD67F0;
	s15 =	simm.s32 @!p4 $0xFFFFFFFF;
	s17 =	simm.s32 @p0 $0x1  }
0x1f2: {  	s11 =	ssub.s32 @!p4 $0x0, s11;
	p1 =	por !p1, p4;
	s15 =	smov.u32 @p0 s12;
	v0 =	vmul.u32 @!p4 s17, v0  }
0x1f3: {  	s16 =	sand.u32 @!p4 $0xFF, s11;
	s15 =	simm.s32 @!p1 $0x0  }
0x1f4: {  	s18 =	sshll.u32 @!p4 s16, $0x7;
	v0 =	vadd.s32 @!p4 s15, v0  }
0x1f5: {  	[tilespmem:s18+$0x80] =	vst @!p4 v0  }
0x1f6: {  	v0 =	vld @!p4 [tilespmem:$0x10];
	_ =	sdelay $0x4  }
0x1f7: {  	v0 =	vmul.u32 @!p4 s17, v0;
	_ =	sdelay $0x1  }
0x1f8: {  	v0 =	vadd.s32 @!p4 s15, v0  }
0x1f9: {  	[tilespmem:s18+$0x90] =	vst @!p4 v0  }
0x1fa: {  	v0 =	vld @!p4 [tilespmem:$0x20];
	_ =	sdelay $0x4  }
0x1fb: {  	v0 =	vmul.u32 @!p4 s17, v0;
	_ =	sdelay $0x1  }
0x1fc: {  	v0 =	vadd.s32 @!p4 s15, v0  }
0x1fd: {  	[tilespmem:s18+$0xA0] =	vst @!p4 v0  }
0x1fe: {  	v0 =	vld @!p4 [tilespmem:$0x30];
	_ =	sdelay $0x4  }
0x1ff: {  	v0 =	vmul.u32 @!p4 s17, v0;
	_ =	sdelay $0x1  }
0x200: {  	v0 =	vadd.s32 @!p4 s15, v0  }
0x201: {  	[tilespmem:s18+$0xB0] =	vst @!p4 v0  }
0x202: {  	v0 =	vld @!p4 [tilespmem:$0x40];
	_ =	sdelay $0x4  }
0x203: {  	v0 =	vmul.u32 @!p4 s17, v0;
	_ =	sdelay $0x1  }
0x204: {  	v0 =	vadd.s32 @!p4 s15, v0  }
0x205: {  	[tilespmem:s18+$0xC0] =	vst @!p4 v0  }
0x206: {  	v0 =	vld @!p4 [tilespmem:$0x50];
	_ =	sdelay $0x4  }
0x207: {  	v0 =	vmul.u32 @!p4 s17, v0  }
0x208: {  	p1 =	por @!p4 $0x0, $0x0  }
0x209: {  	p3 =	por !p1, p4;
	v0 =	vadd.s32 @!p4 s15, v0  }
0x20a: {  	p5 =	por $0x1, $0x1;
	p0 =	por @!p3 $0x1, $0x1;
	[tilespmem:s18+$0xD0] =	vst @!p4 v0  }
0x20b: {  	s11 =	simm.s32 $0x1;
	p2 =	por @!p4 p0, !p1;
	p0 =	por @!p4 !p0, !p1;
	v0 =	vld @!p4 [tilespmem:$0x60]  }
0x20c: {  	s12 =	smul.u32 @!p5 $0xAB, s11;
	s13 =	simm.s32 @!p0 $0x0  }
0x20d: {  	s20 =	simm.s32 $0xFFFFFFFE;
	s13 =	simm.s32 @p0 $0x1  }
0x20e: {  	p6 =	por $0x1, $0x1;
	s12 =	sshrl.u32 @!p5 s12, $0xA;
	[smem:$0x7ED] =	sst s13  }
0x20f: {  	s24 =	smul.u32 @!p6 $0xAB, s20;
	s12 =	sand.u32 @!p5 $0x3F, s12;
	s22 =	sld [smem:$0x7ED]  }
0x210: {  	s14 =	simm.s32 $0x2;
	s21 =	smul.u32 @!p5 $0x6, s12;
	p0 =	por p2, p4;
	v0 =	vmul.u32 @!p4 s17, v0  }
0x211: {  	s19 =	sshll.u32 @!p3 s16, $0xE;
	s12 =	simm.s32 $0xFFFD8F00;
	s13 =	simm.s32 @!p0 $0x0  }
0x212: {  	s25 =	ssub.s32 @!p5 $0x1, s21;
	s13 =	simm.s32 @p0 $0x1;
	p2 =	seq.s32 s22, $0x1;
	v0 =	vadd.s32 @!p4 s15, v0  }
0x213: {  	s21 =	sadd.s32 @!p3 $0x1, s16;
	[smem:$0x7EC] =	sst s13;
	p2 =	por p2, p4;
	[tilespmem:s18+$0xE0] =	vst @!p4 v0  }
0x214: {  	s13 =	sadd.s32 $0x10000, s5;
	s22 =	rddreg [dreg:$0x11];
	s23 =	simm.s32 @!p2 $0x80;
	v0 =	vld @!p4 [tilespmem:$0x70]  }
.LBB3_16:
0x215: {  	_ =	sdelay $0x3  }
0x216: {  	s29 =	sld [smem:$0x7EC];
	v0 =	vmul.u32 @!p4 s17, v0  }
0x217: {  	s26 =	sadd.s32 @!p4 $0x80, s18  }
0x218: {  	p1 =	por p1, p4;
	s30 =	smov.u32 s14;
	s14 =	sadd.s32 $0x1, s14;
	v0 =	vadd.s32 @!p4 s15, v0  }
0x219: {  	s24 =	sshrl.u32 @!p6 s24, $0xA;
	p0 =	seq.s32 s29, $0x1;
	s17 =	sor.u32 @!p3 $0x480, s19;
	[tilespmem:s18+$0xF0] =	vst @!p4 v0  }
0x21a: {  	[tilespmem:s17], [sflag:s21] =	stream.indirect.gather @!p2 [hbm4b:s22+s23], $0x80, s26, s23, $0xb8;
	[tilespmem:$0x18480] =	vst v63  }
0x21b: {  	s16 =	sadd.s32 @!p1 $0x1, s16;
	s15 =	simm.s32 @!p0 $0x80;
	s18 =	rddreg [dreg:$0x12]  }
0x21c: {  	[tilespmem:s17], [sflag:s21] =	stream.indirect.gather @!p0 [hbm4b:s18+s15], $0x80, s26, s15, $0xb8;
	[tilespmem:$0x18480] =	vst v63  }
0x21d: {  	s28 =	simm.s32 @!p1 $0x480;
	s24 =	sand.u32 @!p6 $0x3F, s24;
	p0 =	seq.s32 s14, $0x53  }
0x21e: {  	s24 =	smul.u32 @!p6 $0x6, s24;
	s19 =	sand.u32 @!p5 $0xFF, s25;
	s15 =	simm.s32 @!p0 $0x0  }
0x21f: {  	s25 =	rddreg [dreg:$0x13];
	s17 =	simm.s32 @!p1 $0x80;
	s15 =	simm.s32 @p0 $0x1  }
0x220: {  	[tilespmem:s28], [sflag:s16] =	stream.indirect.gather @!p1 [hbm4b:s25+s17], $0x80, s26, s17, $0xb8;
	[tilespmem:$0x18480] =	vst v63  }
0x221: {  	s20 =	ssub.s32 @!p6 s20, s24;
	s18 =	sadd.s32 @!p5 $0x7, s19;
	[smem:$0x7EB] =	sst s15  }
0x222: {  	s15 =	sand.u32 @!p6 $0xFF, s20;
	_ =	swait.ge @!p5 [sflag:s18], $0x4000  }
0x223: {  	s19 =	sadd.s32 @!p6 $0x7, s15;
	[sflag:s18] =	ssyncset.done @!p5 $0x0  }
0x224: {  	s20 =	sshll.u32 @!p6 s15, $0xE;
	s15 =	sadd.s32 @!p6 $0x1, s15;
	[sflag:s18] =	ssyncadd.s32 @!p5 $0xFFFFC000  }
0x225: {  	_ =	swait.ge @!p6 [sflag:s15], $0x4000  }
0x226: {  	p4 =	sgt.u32 s11, $0x4C;
	s17 =	simm.s32 @!p6 $0x0;
	[sflag:s15] =	ssyncset.done @!p6 $0x0  }
0x227: {  	s16 =	sor.u32 @!p6 $0x480, s20;
	s18 =	smul.u32 @!p4 $0xAB, s11;
	[sflag:s15] =	ssyncadd.s32 @!p6 $0xFFFFC000  }
0x228: {  	[hbm4b:s13+s17] =	stream.linear.scatter @!p6 [tilespmem:s16], [sflag:s19], $0x4000, $0x38;
	[tilespmem:$0x18480] =	vst v63  }
0x229: {  	v0 =	vld @!p4 [tilespmem:$0x0]  }
0x22a: {  	s20 =	sadd.s32 @!p4 $0xFFFFFFFF, s11;
	s15 =	sshrl.u32 @!p4 s18, $0xA  }
0x22b: {  	p0 =	slt.u32 @!p4 s20, $0x10;
	s16 =	sand.u32 @!p4 $0x3F, s15  }
0x22c: {  	p0 =	por !p0, p4;
	s17 =	simm.s32 @!p4 $0x10;
	s16 =	smul.u32 @!p4 $0x6, s16  }
0x22d: {  	p1 =	seq.s32 @!p4 s11, $0x0;
	s15 =	smov.u32 s20;
	s17 =	simm.s32 @p0 $0x1  }
0x22e: {  	p2 =	por !p1, p4;
	s15 =	smov.u32 @p0 s12;
	s16 =	ssub.s32 @!p4 s11, s16;
	v0 =	vmul.u32 @!p4 s17, v0  }
0x22f: {  	s15 =	simm.s32 @!p2 $0x0;
	s16 =	sand.u32 @!p4 $0xFF, s16  }
0x230: {  	s18 =	sshll.u32 @!p4 s16, $0x7;
	v0 =	vadd.s32 @!p4 s15, v0  }
0x231: {  	[tilespmem:s18+$0x80] =	vst @!p4 v0  }
0x232: {  	v0 =	vld @!p4 [tilespmem:$0x10];
	_ =	sdelay $0x4  }
0x233: {  	v0 =	vmul.u32 @!p4 s17, v0;
	_ =	sdelay $0x1  }
0x234: {  	v0 =	vadd.s32 @!p4 s15, v0  }
0x235: {  	[tilespmem:s18+$0x90] =	vst @!p4 v0  }
0x236: {  	v0 =	vld @!p4 [tilespmem:$0x20];
	_ =	sdelay $0x4  }
0x237: {  	v0 =	vmul.u32 @!p4 s17, v0;
	_ =	sdelay $0x1  }
0x238: {  	v0 =	vadd.s32 @!p4 s15, v0  }
0x239: {  	[tilespmem:s18+$0xA0] =	vst @!p4 v0  }
0x23a: {  	v0 =	vld @!p4 [tilespmem:$0x30];
	_ =	sdelay $0x4  }
0x23b: {  	v0 =	vmul.u32 @!p4 s17, v0;
	_ =	sdelay $0x1  }
0x23c: {  	v0 =	vadd.s32 @!p4 s15, v0  }
0x23d: {  	[tilespmem:s18+$0xB0] =	vst @!p4 v0  }
0x23e: {  	v0 =	vld @!p4 [tilespmem:$0x40];
	_ =	sdelay $0x4  }
0x23f: {  	v0 =	vmul.u32 @!p4 s17, v0;
	_ =	sdelay $0x1  }
0x240: {  	v0 =	vadd.s32 @!p4 s15, v0  }
0x241: {  	[tilespmem:s18+$0xC0] =	vst @!p4 v0  }
0x242: {  	v0 =	vld @!p4 [tilespmem:$0x50];
	_ =	sdelay $0x4  }
0x243: {  	p1 =	sne.s32 @!p4 s11, $0x0;
	v0 =	vmul.u32 @!p4 s17, v0  }
0x244: {  	p3 =	por !p1, p4  }
0x245: {  	p0 =	sgt.u32 @!p3 s20, $0xF;
	v0 =	vadd.s32 @!p4 s15, v0  }
0x246: {  	p2 =	por @!p4 !p0, !p1;
	p0 =	por @!p4 p0, !p1;
	[tilespmem:s18+$0xD0] =	vst @!p4 v0  }
0x247: {  	p0 =	por p0, p4;
	v0 =	vld @!p4 [tilespmem:$0x60]  }
0x248: {  	s31 =	sld [smem:$0x7EB];
	s11 =	smov.u32 s30;
	s20 =	simm.s32 @!p0 $0x0  }
0x249: {  	p5 =	slt.u32 s11, $0x6;
	s20 =	simm.s32 @p0 $0x1  }
0x24a: {  	[smem:$0x7EC] =	sst s20;
	s20 =	smul.u32 @!p5 $0xAB, s11  }
0x24b: {  	p0 =	seq.s32 s31, $0x1  }
.Ltmp11:
0x24c: {  	s22 =	rddreg [dreg:$0x11];
	s20 =	sshrl.u32 @!p5 s20, $0xA;
	v0 =	vmul.u32 @!p4 s17, v0;
	(pc) =	sbr.rel @!p0 .LBB3_16-.Ltmp11, $4  }
0x24d: {  	s13 =	sadd.s32 $0x10000, s13;
	s12 =	sadd.s32 $0x2710, s12;
	s21 =	sand.u32 @!p5 $0x3F, s20  }
0x24e: {  	p2 =	por p2, p4;
	s20 =	sadd.s32 $0xFFFFFFFD, s11;
	s21 =	smul.u32 @!p5 $0x6, s21;
	v0 =	vadd.s32 @!p4 s15, v0  }
0x24f: {  	s23 =	simm.s32 @!p2 $0x80;
	s19 =	sshll.u32 @!p3 s16, $0xE;
	p6 =	sgt.u32 s20, $0x4C;
	[tilespmem:s18+$0xE0] =	vst @!p4 v0  }
0x250: {  	s24 =	smul.u32 @!p6 $0xAB, s20;
	s25 =	ssub.s32 @!p5 s11, s21;
	s21 =	sadd.s32 @!p3 $0x1, s16;
	v0 =	vld @!p4 [tilespmem:$0x70]  }
0x251: {  	_ =	sdelay $0x3  }
0x252: {  	s31 =	sld [smem:$0x7EC];
	v0 =	vmul.u32 @!p4 s17, v0  }
0x253: {  	s19 =	sor.u32 @!p3 $0x480, s19;
	p1 =	por p1, p4;
	s14 =	sshrl.u32 @!p6 s24, $0xA  }
0x254: {  	s24 =	sand.u32 @!p5 $0xFF, s25;
	s25 =	rddreg [dreg:$0x13];
	s16 =	sadd.s32 @!p1 $0x1, s16;
	v0 =	vadd.s32 @!p4 s15, v0  }
0x255: {  	s14 =	sand.u32 @!p6 $0x3F, s14;
	p0 =	seq.s32 s31, $0x1;
	s17 =	sadd.s32 @!p4 $0x80, s18;
	[tilespmem:s18+$0xF0] =	vst @!p4 v0  }
0x256: {  	[tilespmem:s19], [sflag:s21] =	stream.indirect.gather @!p2 [hbm4b:s22+s23], $0x80, s17, s23, $0xb8;
	[tilespmem:$0x18480] =	vst v63  }
0x257: {  	s14 =	smul.u32 @!p6 $0x6, s14;
	s15 =	rddreg [dreg:$0x12];
	s18 =	simm.s32 @!p0 $0x80  }
0x258: {  	[tilespmem:s19], [sflag:s21] =	stream.indirect.gather @!p0 [hbm4b:s15+s18], $0x80, s17, s18, $0xb8;
	[tilespmem:$0x18480] =	vst v63  }
0x259: {  	s15 =	simm.s32 @!p1 $0x480;
	s18 =	simm.s32 @!p1 $0x80;
	s19 =	sadd.s32 @!p5 $0x7, s24  }
0x25a: {  	[tilespmem:s15], [sflag:s16] =	stream.indirect.gather @!p1 [hbm4b:s25+s18], $0x80, s17, s18, $0xb8;
	[tilespmem:$0x18480] =	vst v63  }
0x25b: {  	s14 =	ssub.s32 @!p6 s20, s14;
	_ =	swait.ge @!p5 [sflag:s19], $0x4000  }
0x25c: {  	s14 =	sand.u32 @!p6 $0xFF, s14;
	[sflag:s19] =	ssyncset.done @!p5 $0x0  }
0x25d: {  	s15 =	sadd.s32 @!p6 $0x1, s14;
	[sflag:s19] =	ssyncadd.s32 @!p5 $0xFFFFC000  }
0x25e: {  	p0 =	sgt.u32 s11, $0x4C;
	s16 =	sadd.s32 @!p6 $0x7, s14;
	_ =	swait.ge @!p6 [sflag:s15], $0x4000  }
0x25f: {  	s14 =	sshll.u32 @!p6 s14, $0xE;
	s17 =	simm.s32 @!p6 $0x0;
	[sflag:s15] =	ssyncset.done @!p6 $0x0  }
0x260: {  	s18 =	smul.u32 @!p0 $0xAB, s11;
	s14 =	sor.u32 @!p6 $0x480, s14;
	[sflag:s15] =	ssyncadd.s32 @!p6 $0xFFFFC000  }
0x261: {  	[hbm4b:s13+s17] =	stream.linear.scatter @!p6 [tilespmem:s14], [sflag:s16], $0x4000, $0x38;
	[tilespmem:$0x18480] =	vst v63  }
0x262: {  	v0 =	vld @!p0 [tilespmem:$0x0]  }
0x263: {  	s13 =	sadd.s32 @!p0 $0xFFFFFFFF, s11;
	s14 =	sshrl.u32 @!p0 s18, $0xA  }
0x264: {  	p1 =	slt.u32 @!p0 s13, $0x10;
	s14 =	sand.u32 @!p0 $0x3F, s14  }
0x265: {  	s15 =	simm.s32 @!p0 $0x10;
	p1 =	por !p1, p0;
	s14 =	smul.u32 @!p0 $0x6, s14  }
0x266: {  	p2 =	seq.s32 @!p0 s11, $0x0;
	s16 =	smov.u32 s13;
	s15 =	simm.s32 @p1 $0x1  }
0x267: {  	p2 =	por !p2, p0;
	s16 =	smov.u32 @p1 s12;
	s12 =	ssub.s32 @!p0 s11, s14;
	v0 =	vmul.u32 @!p0 s15, v0  }
0x268: {  	s16 =	simm.s32 @!p2 $0x0;
	s12 =	sand.u32 @!p0 $0xFF, s12  }
0x269: {  	s14 =	sshll.u32 @!p0 s12, $0x7;
	v0 =	vadd.s32 @!p0 s16, v0  }
0x26a: {  	[tilespmem:s14+$0x80] =	vst @!p0 v0  }
0x26b: {  	v0 =	vld @!p0 [tilespmem:$0x10];
	_ =	sdelay $0x4  }
0x26c: {  	v0 =	vmul.u32 @!p0 s15, v0;
	_ =	sdelay $0x1  }
0x26d: {  	v0 =	vadd.s32 @!p0 s16, v0  }
0x26e: {  	[tilespmem:s14+$0x90] =	vst @!p0 v0  }
0x26f: {  	v0 =	vld @!p0 [tilespmem:$0x20];
	_ =	sdelay $0x4  }
0x270: {  	v0 =	vmul.u32 @!p0 s15, v0;
	_ =	sdelay $0x1  }
0x271: {  	v0 =	vadd.s32 @!p0 s16, v0  }
0x272: {  	[tilespmem:s14+$0xA0] =	vst @!p0 v0  }
0x273: {  	v0 =	vld @!p0 [tilespmem:$0x30];
	_ =	sdelay $0x4  }
0x274: {  	v0 =	vmul.u32 @!p0 s15, v0;
	_ =	sdelay $0x1  }
0x275: {  	v0 =	vadd.s32 @!p0 s16, v0  }
0x276: {  	[tilespmem:s14+$0xB0] =	vst @!p0 v0  }
0x277: {  	v0 =	vld @!p0 [tilespmem:$0x40];
	_ =	sdelay $0x4  }
0x278: {  	v0 =	vmul.u32 @!p0 s15, v0;
	_ =	sdelay $0x1  }
0x279: {  	v0 =	vadd.s32 @!p0 s16, v0  }
0x27a: {  	[tilespmem:s14+$0xC0] =	vst @!p0 v0  }
0x27b: {  	v0 =	vld @!p0 [tilespmem:$0x50];
	_ =	sdelay $0x4  }
0x27c: {  	v0 =	vmul.u32 @!p0 s15, v0;
	_ =	sdelay $0x1  }
0x27d: {  	v0 =	vadd.s32 @!p0 s16, v0  }
0x27e: {  	[tilespmem:s14+$0xD0] =	vst @!p0 v0  }
0x27f: {  	v0 =	vld @!p0 [tilespmem:$0x60];
	_ =	sdelay $0x4  }
0x280: {  	v0 =	vmul.u32 @!p0 s15, v0;
	_ =	sdelay $0x1  }
0x281: {  	v0 =	vadd.s32 @!p0 s16, v0  }
0x282: {  	[tilespmem:s14+$0xE0] =	vst @!p0 v0  }
0x283: {  	v0 =	vld @!p0 [tilespmem:$0x70];
	_ =	sdelay $0x2  }
0x284: {  	p1 =	sne.s32 @!p0 s11, $0x0  }
0x285: {  	p2 =	por !p1, p0  }
0x286: {  	p3 =	sgt.u32 @!p2 s13, $0xF;
	v0 =	vmul.u32 @!p0 s15, v0  }
0x287: {  	s13 =	rddreg [dreg:$0x11];
	s11 =	sshll.u32 @!p2 s12, $0xE;
	p4 =	por @!p0 !p3, !p1  }
0x288: {  	p3 =	por @!p0 p3, !p1;
	p4 =	por p4, p0;
	s11 =	sor.u32 @!p2 $0x480, s11;
	v0 =	vadd.s32 @!p0 s16, v0  }
0x289: {  	s17 =	simm.s32 @!p4 $0x80;
	s15 =	sadd.s32 @!p2 $0x1, s12;
	s16 =	sadd.s32 @!p0 $0x80, s14;
	[tilespmem:s14+$0xF0] =	vst @!p0 v0  }
0x28a: {  	[tilespmem:s11], [sflag:s15] =	stream.indirect.gather @!p4 [hbm4b:s13+s17], $0x80, s16, s17, $0xb8;
	[tilespmem:$0x18480] =	vst v63  }
.Ltmp12:
0x28b: {  	p3 =	por p3, p0;
	s14 =	rddreg [dreg:$0x12];
	(pc) =	sbr.rel .LBB3_18-.Ltmp12, $4  }
0x28c: {  	p0 =	por p1, p0;
	s13 =	rddreg [dreg:$0x13];
	s17 =	simm.s32 @!p3 $0x80  }
0x28d: {  	[tilespmem:s11], [sflag:s15] =	stream.indirect.gather @!p3 [hbm4b:s14+s17], $0x80, s16, s17, $0xb8;
	[tilespmem:$0x18480] =	vst v63  }
0x28e: {  	s11 =	sadd.s32 @!p0 $0x1, s12;
	s12 =	simm.s32 @!p0 $0x480;
	s14 =	simm.s32 @!p0 $0x80  }
0x28f: {  	[tilespmem:s12], [sflag:s11] =	stream.indirect.gather @!p0 [hbm4b:s13+s14], $0x80, s16, s14, $0xb8;
	[tilespmem:$0x18480] =	vst v63  }
.LBB3_8:
0x290: {  	p1 =	por $0x1, $0x1  }
0x291: {  	s12 =	smul.u32 @!p1 $0xAB, s1;
	_ =	sdelay $0x1  }
0x292: {  	s13 =	simm.s32 $0xFFFFFFFD;
	p0 =	por $0x1, $0x1;
	s12 =	sshrl.u32 @!p1 s12, $0xA  }
0x293: {  	s13 =	smul.u32 @!p0 $0xAB, s13;
	s12 =	sand.u32 @!p1 $0x3F, s12  }
0x294: {  	s12 =	smul.u32 @!p1 $0x6, s12  }
0x295: {  	s13 =	sshrl.u32 @!p0 s13, $0xA  }
0x296: {  	s13 =	sand.u32 @!p0 $0x3F, s13;
	s12 =	ssub.s32 @!p1 $0x0, s12  }
0x297: {  	s13 =	smul.u32 @!p0 $0x6, s13;
	s12 =	sand.u32 @!p1 $0xFF, s12  }
0x298: {  	s12 =	sadd.s32 @!p1 $0x7, s12  }
0x299: {  	s13 =	ssub.s32 @!p0 $0xFFFFFFFD, s13;
	_ =	swait.ge @!p1 [sflag:s12], $0x4000  }
0x29a: {  	s13 =	sand.u32 @!p0 $0xFF, s13;
	[sflag:s12] =	ssyncset.done @!p1 $0x0  }
0x29b: {  	[sflag:s12] =	ssyncadd.s32 @!p1 $0xFFFFC000;
	s12 =	sadd.s32 @!p0 $0x1, s13  }
0x29c: {  	p4 =	por $0x0, $0x0;
	s15 =	simm.s32 @!p0 $0x0;
	_ =	swait.ge @!p0 [sflag:s12], $0x4000  }
0x29d: {  	s14 =	sadd.s32 @!p0 $0x7, s13;
	s13 =	sshll.u32 @!p0 s13, $0xE;
	[sflag:s12] =	ssyncset.done @!p0 $0x0  }
0x29e: {  	s16 =	smul.u32 @!p4 $0xAB, s1;
	s13 =	sor.u32 @!p0 $0x480, s13;
	[sflag:s12] =	ssyncadd.s32 @!p0 $0xFFFFC000  }
0x29f: {  	[hbm4b:s5+s15] =	stream.linear.scatter @!p0 [tilespmem:s13], [sflag:s14], $0x4000, $0x38;
	[tilespmem:$0x18480] =	vst v63  }
0x2a0: {  	v0 =	vld @!p4 [tilespmem:$0x0]  }
0x2a1: {  	s12 =	sshrl.u32 @!p4 s16, $0xA  }
0x2a2: {  	p0 =	por @!p4 $0x0, $0x0;
	s12 =	sand.u32 @!p4 $0x3F, s12  }
0x2a3: {  	s17 =	simm.s32 @!p4 $0x10;
	p0 =	por !p0, p4;
	s12 =	smul.u32 @!p4 $0x6, s12  }
0x2a4: {  	p1 =	por @!p4 $0x1, $0x1;
	s15 =	simm.s32 @!p4 $0xFFFFFFFF;
	s17 =	simm.s32 @p0 $0x1  }
0x2a5: {  	p1 =	por !p1, p4;
	s15 =	smov.u32 @p0 s11;
	s11 =	ssub.s32 @!p4 $0x0, s12;
	v0 =	vmul.u32 @!p4 s17, v0  }
0x2a6: {  	s15 =	simm.s32 @!p1 $0x0;
	s16 =	sand.u32 @!p4 $0xFF, s11  }
0x2a7: {  	s18 =	sshll.u32 @!p4 s16, $0x7;
	v0 =	vadd.s32 @!p4 s15, v0  }
0x2a8: {  	[tilespmem:s18+$0x80] =	vst @!p4 v0  }
0x2a9: {  	v0 =	vld @!p4 [tilespmem:$0x10];
	_ =	sdelay $0x4  }
0x2aa: {  	v0 =	vmul.u32 @!p4 s17, v0;
	_ =	sdelay $0x1  }
0x2ab: {  	v0 =	vadd.s32 @!p4 s15, v0  }
0x2ac: {  	[tilespmem:s18+$0x90] =	vst @!p4 v0  }
0x2ad: {  	v0 =	vld @!p4 [tilespmem:$0x20];
	_ =	sdelay $0x4  }
0x2ae: {  	v0 =	vmul.u32 @!p4 s17, v0;
	_ =	sdelay $0x1  }
0x2af: {  	v0 =	vadd.s32 @!p4 s15, v0  }
0x2b0: {  	[tilespmem:s18+$0xA0] =	vst @!p4 v0  }
0x2b1: {  	v0 =	vld @!p4 [tilespmem:$0x30];
	_ =	sdelay $0x4  }
0x2b2: {  	v0 =	vmul.u32 @!p4 s17, v0;
	_ =	sdelay $0x1  }
0x2b3: {  	v0 =	vadd.s32 @!p4 s15, v0  }
0x2b4: {  	[tilespmem:s18+$0xB0] =	vst @!p4 v0  }
0x2b5: {  	v0 =	vld @!p4 [tilespmem:$0x40];
	_ =	sdelay $0x4  }
0x2b6: {  	v0 =	vmul.u32 @!p4 s17, v0;
	_ =	sdelay $0x1  }
0x2b7: {  	v0 =	vadd.s32 @!p4 s15, v0  }
0x2b8: {  	[tilespmem:s18+$0xC0] =	vst @!p4 v0  }
0x2b9: {  	v0 =	vld @!p4 [tilespmem:$0x50];
	_ =	sdelay $0x4  }
0x2ba: {  	v0 =	vmul.u32 @!p4 s17, v0  }
0x2bb: {  	p1 =	por @!p4 $0x0, $0x0  }
0x2bc: {  	p3 =	por !p1, p4;
	v0 =	vadd.s32 @!p4 s15, v0  }
0x2bd: {  	p0 =	por @!p3 $0x1, $0x1;
	[tilespmem:s18+$0xD0] =	vst @!p4 v0  }
0x2be: {  	p5 =	por $0x1, $0x1;
	p2 =	por @!p4 p0, !p1;
	p0 =	por @!p4 !p0, !p1;
	v0 =	vld @!p4 [tilespmem:$0x60]  }
0x2bf: {  	s20 =	simm.s32 $0xFFFFFFFE;
	s11 =	simm.s32 $0x1;
	s13 =	simm.s32 @!p0 $0x0  }
0x2c0: {  	p6 =	por $0x1, $0x1;
	s12 =	smul.u32 @!p5 $0xAB, s11;
	s13 =	simm.s32 @p0 $0x1  }
0x2c1: {  	s24 =	smul.u32 @!p6 $0xAB, s20;
	[smem:$0x7F3] =	sst s13  }
0x2c2: {  	s12 =	sshrl.u32 @!p5 s12, $0xA;
	p0 =	por p2, p4;
	s22 =	sld [smem:$0x7F3]  }
0x2c3: {  	s14 =	simm.s32 $0x2;
	s12 =	sand.u32 @!p5 $0x3F, s12;
	s13 =	simm.s32 @!p0 $0x0;
	v0 =	vmul.u32 @!p4 s17, v0  }
0x2c4: {  	s19 =	sshll.u32 @!p3 s16, $0xE;
	s21 =	smul.u32 @!p5 $0x6, s12;
	s13 =	simm.s32 @p0 $0x1  }
0x2c5: {  	s12 =	simm.s32 $0xFFFD8F00;
	[smem:$0x7F2] =	sst s13;
	p2 =	seq.s32 s22, $0x1;
	v0 =	vadd.s32 @!p4 s15, v0  }
0x2c6: {  	s13 =	sadd.s32 $0x10000, s5;
	s25 =	ssub.s32 @!p5 $0x1, s21;
	p2 =	por p2, p4;
	[tilespmem:s18+$0xE0] =	vst @!p4 v0  }
0x2c7: {  	s21 =	sadd.s32 @!p3 $0x1, s16;
	s22 =	rddreg [dreg:$0x14];
	s23 =	simm.s32 @!p2 $0x80;
	v0 =	vld @!p4 [tilespmem:$0x70]  }
.LBB3_9:
0x2c8: {  	_ =	sdelay $0x3  }
0x2c9: {  	s29 =	sld [smem:$0x7F2];
	v0 =	vmul.u32 @!p4 s17, v0  }
0x2ca: {  	s26 =	sadd.s32 @!p4 $0x80, s18  }
0x2cb: {  	p1 =	por p1, p4;
	s30 =	smov.u32 s14;
	s14 =	sadd.s32 $0x1, s14;
	v0 =	vadd.s32 @!p4 s15, v0  }
0x2cc: {  	s24 =	sshrl.u32 @!p6 s24, $0xA;
	p0 =	seq.s32 s29, $0x1;
	s17 =	sor.u32 @!p3 $0x480, s19;
	[tilespmem:s18+$0xF0] =	vst @!p4 v0  }
0x2cd: {  	[tilespmem:s17], [sflag:s21] =	stream.indirect.gather @!p2 [hbm4b:s22+s23], $0x80, s26, s23, $0xb8;
	[tilespmem:$0x18480] =	vst v63  }
0x2ce: {  	s16 =	sadd.s32 @!p1 $0x1, s16;
	s15 =	simm.s32 @!p0 $0x80;
	s18 =	rddreg [dreg:$0x15]  }
0x2cf: {  	[tilespmem:s17], [sflag:s21] =	stream.indirect.gather @!p0 [hbm4b:s18+s15], $0x80, s26, s15, $0xb8;
	[tilespmem:$0x18480] =	vst v63  }
0x2d0: {  	s28 =	simm.s32 @!p1 $0x480;
	s24 =	sand.u32 @!p6 $0x3F, s24;
	p0 =	seq.s32 s14, $0x53  }
0x2d1: {  	s24 =	smul.u32 @!p6 $0x6, s24;
	s19 =	sand.u32 @!p5 $0xFF, s25;
	s15 =	simm.s32 @!p0 $0x0  }
0x2d2: {  	s25 =	rddreg [dreg:$0x16];
	s17 =	simm.s32 @!p1 $0x80;
	s15 =	simm.s32 @p0 $0x1  }
0x2d3: {  	[tilespmem:s28], [sflag:s16] =	stream.indirect.gather @!p1 [hbm4b:s25+s17], $0x80, s26, s17, $0xb8;
	[tilespmem:$0x18480] =	vst v63  }
0x2d4: {  	s20 =	ssub.s32 @!p6 s20, s24;
	s18 =	sadd.s32 @!p5 $0x7, s19;
	[smem:$0x7F1] =	sst s15  }
0x2d5: {  	s15 =	sand.u32 @!p6 $0xFF, s20;
	_ =	swait.ge @!p5 [sflag:s18], $0x4000  }
0x2d6: {  	s19 =	sadd.s32 @!p6 $0x7, s15;
	[sflag:s18] =	ssyncset.done @!p5 $0x0  }
0x2d7: {  	s20 =	sshll.u32 @!p6 s15, $0xE;
	s15 =	sadd.s32 @!p6 $0x1, s15;
	[sflag:s18] =	ssyncadd.s32 @!p5 $0xFFFFC000  }
0x2d8: {  	_ =	swait.ge @!p6 [sflag:s15], $0x4000  }
0x2d9: {  	p4 =	sgt.u32 s11, $0x4C;
	s17 =	simm.s32 @!p6 $0x0;
	[sflag:s15] =	ssyncset.done @!p6 $0x0  }
0x2da: {  	s16 =	sor.u32 @!p6 $0x480, s20;
	s18 =	smul.u32 @!p4 $0xAB, s11;
	[sflag:s15] =	ssyncadd.s32 @!p6 $0xFFFFC000  }
0x2db: {  	[hbm4b:s13+s17] =	stream.linear.scatter @!p6 [tilespmem:s16], [sflag:s19], $0x4000, $0x38;
	[tilespmem:$0x18480] =	vst v63  }
0x2dc: {  	v0 =	vld @!p4 [tilespmem:$0x0]  }
0x2dd: {  	s20 =	sadd.s32 @!p4 $0xFFFFFFFF, s11;
	s15 =	sshrl.u32 @!p4 s18, $0xA  }
0x2de: {  	p0 =	slt.u32 @!p4 s20, $0x10;
	s16 =	sand.u32 @!p4 $0x3F, s15  }
0x2df: {  	p0 =	por !p0, p4;
	s17 =	simm.s32 @!p4 $0x10;
	s16 =	smul.u32 @!p4 $0x6, s16  }
0x2e0: {  	p1 =	seq.s32 @!p4 s11, $0x0;
	s15 =	smov.u32 s20;
	s17 =	simm.s32 @p0 $0x1  }
0x2e1: {  	p2 =	por !p1, p4;
	s15 =	smov.u32 @p0 s12;
	s16 =	ssub.s32 @!p4 s11, s16;
	v0 =	vmul.u32 @!p4 s17, v0  }
0x2e2: {  	s15 =	simm.s32 @!p2 $0x0;
	s16 =	sand.u32 @!p4 $0xFF, s16  }
0x2e3: {  	s18 =	sshll.u32 @!p4 s16, $0x7;
	v0 =	vadd.s32 @!p4 s15, v0  }
0x2e4: {  	[tilespmem:s18+$0x80] =	vst @!p4 v0  }
0x2e5: {  	v0 =	vld @!p4 [tilespmem:$0x10];
	_ =	sdelay $0x4  }
0x2e6: {  	v0 =	vmul.u32 @!p4 s17, v0;
	_ =	sdelay $0x1  }
0x2e7: {  	v0 =	vadd.s32 @!p4 s15, v0  }
0x2e8: {  	[tilespmem:s18+$0x90] =	vst @!p4 v0  }
0x2e9: {  	v0 =	vld @!p4 [tilespmem:$0x20];
	_ =	sdelay $0x4  }
0x2ea: {  	v0 =	vmul.u32 @!p4 s17, v0;
	_ =	sdelay $0x1  }
0x2eb: {  	v0 =	vadd.s32 @!p4 s15, v0  }
0x2ec: {  	[tilespmem:s18+$0xA0] =	vst @!p4 v0  }
0x2ed: {  	v0 =	vld @!p4 [tilespmem:$0x30];
	_ =	sdelay $0x4  }
0x2ee: {  	v0 =	vmul.u32 @!p4 s17, v0;
	_ =	sdelay $0x1  }
0x2ef: {  	v0 =	vadd.s32 @!p4 s15, v0  }
0x2f0: {  	[tilespmem:s18+$0xB0] =	vst @!p4 v0  }
0x2f1: {  	v0 =	vld @!p4 [tilespmem:$0x40];
	_ =	sdelay $0x4  }
0x2f2: {  	v0 =	vmul.u32 @!p4 s17, v0;
	_ =	sdelay $0x1  }
0x2f3: {  	v0 =	vadd.s32 @!p4 s15, v0  }
0x2f4: {  	[tilespmem:s18+$0xC0] =	vst @!p4 v0  }
0x2f5: {  	v0 =	vld @!p4 [tilespmem:$0x50];
	_ =	sdelay $0x4  }
0x2f6: {  	p1 =	sne.s32 @!p4 s11, $0x0;
	v0 =	vmul.u32 @!p4 s17, v0  }
0x2f7: {  	p3 =	por !p1, p4  }
0x2f8: {  	p0 =	sgt.u32 @!p3 s20, $0xF;
	v0 =	vadd.s32 @!p4 s15, v0  }
0x2f9: {  	p2 =	por @!p4 !p0, !p1;
	p0 =	por @!p4 p0, !p1;
	[tilespmem:s18+$0xD0] =	vst @!p4 v0  }
0x2fa: {  	p0 =	por p0, p4;
	v0 =	vld @!p4 [tilespmem:$0x60]  }
0x2fb: {  	s31 =	sld [smem:$0x7F1];
	s11 =	smov.u32 s30;
	s20 =	simm.s32 @!p0 $0x0  }
0x2fc: {  	p5 =	slt.u32 s11, $0x6;
	s20 =	simm.s32 @p0 $0x1  }
0x2fd: {  	[smem:$0x7F2] =	sst s20;
	s20 =	smul.u32 @!p5 $0xAB, s11  }
0x2fe: {  	p0 =	seq.s32 s31, $0x1  }
.Ltmp13:
0x2ff: {  	s22 =	rddreg [dreg:$0x14];
	s20 =	sshrl.u32 @!p5 s20, $0xA;
	v0 =	vmul.u32 @!p4 s17, v0;
	(pc) =	sbr.rel @!p0 .LBB3_9-.Ltmp13, $4  }
0x300: {  	s13 =	sadd.s32 $0x10000, s13;
	s12 =	sadd.s32 $0x2710, s12;
	s21 =	sand.u32 @!p5 $0x3F, s20  }
0x301: {  	p2 =	por p2, p4;
	s20 =	sadd.s32 $0xFFFFFFFD, s11;
	s21 =	smul.u32 @!p5 $0x6, s21;
	v0 =	vadd.s32 @!p4 s15, v0  }
0x302: {  	s23 =	simm.s32 @!p2 $0x80;
	s19 =	sshll.u32 @!p3 s16, $0xE;
	p6 =	sgt.u32 s20, $0x4C;
	[tilespmem:s18+$0xE0] =	vst @!p4 v0  }
0x303: {  	s24 =	smul.u32 @!p6 $0xAB, s20;
	s25 =	ssub.s32 @!p5 s11, s21;
	s21 =	sadd.s32 @!p3 $0x1, s16;
	v0 =	vld @!p4 [tilespmem:$0x70]  }
0x304: {  	_ =	sdelay $0x3  }
0x305: {  	s31 =	sld [smem:$0x7F2];
	v0 =	vmul.u32 @!p4 s17, v0  }
0x306: {  	s19 =	sor.u32 @!p3 $0x480, s19;
	p1 =	por p1, p4;
	s14 =	sshrl.u32 @!p6 s24, $0xA  }
0x307: {  	s24 =	sand.u32 @!p5 $0xFF, s25;
	s25 =	rddreg [dreg:$0x16];
	s16 =	sadd.s32 @!p1 $0x1, s16;
	v0 =	vadd.s32 @!p4 s15, v0  }
0x308: {  	s14 =	sand.u32 @!p6 $0x3F, s14;
	p0 =	seq.s32 s31, $0x1;
	s17 =	sadd.s32 @!p4 $0x80, s18;
	[tilespmem:s18+$0xF0] =	vst @!p4 v0  }
0x309: {  	[tilespmem:s19], [sflag:s21] =	stream.indirect.gather @!p2 [hbm4b:s22+s23], $0x80, s17, s23, $0xb8;
	[tilespmem:$0x18480] =	vst v63  }
0x30a: {  	s14 =	smul.u32 @!p6 $0x6, s14;
	s15 =	rddreg [dreg:$0x15];
	s18 =	simm.s32 @!p0 $0x80  }
0x30b: {  	[tilespmem:s19], [sflag:s21] =	stream.indirect.gather @!p0 [hbm4b:s15+s18], $0x80, s17, s18, $0xb8;
	[tilespmem:$0x18480] =	vst v63  }
0x30c: {  	s15 =	simm.s32 @!p1 $0x480;
	s18 =	simm.s32 @!p1 $0x80;
	s19 =	sadd.s32 @!p5 $0x7, s24  }
0x30d: {  	[tilespmem:s15], [sflag:s16] =	stream.indirect.gather @!p1 [hbm4b:s25+s18], $0x80, s17, s18, $0xb8;
	[tilespmem:$0x18480] =	vst v63  }
0x30e: {  	s14 =	ssub.s32 @!p6 s20, s14;
	_ =	swait.ge @!p5 [sflag:s19], $0x4000  }
0x30f: {  	s14 =	sand.u32 @!p6 $0xFF, s14;
	[sflag:s19] =	ssyncset.done @!p5 $0x0  }
0x310: {  	s15 =	sadd.s32 @!p6 $0x1, s14;
	[sflag:s19] =	ssyncadd.s32 @!p5 $0xFFFFC000  }
0x311: {  	p0 =	sgt.u32 s11, $0x4C;
	s16 =	sadd.s32 @!p6 $0x7, s14;
	_ =	swait.ge @!p6 [sflag:s15], $0x4000  }
0x312: {  	s14 =	sshll.u32 @!p6 s14, $0xE;
	s17 =	simm.s32 @!p6 $0x0;
	[sflag:s15] =	ssyncset.done @!p6 $0x0  }
0x313: {  	s18 =	smul.u32 @!p0 $0xAB, s11;
	s14 =	sor.u32 @!p6 $0x480, s14;
	[sflag:s15] =	ssyncadd.s32 @!p6 $0xFFFFC000  }
0x314: {  	[hbm4b:s13+s17] =	stream.linear.scatter @!p6 [tilespmem:s14], [sflag:s16], $0x4000, $0x38;
	[tilespmem:$0x18480] =	vst v63  }
0x315: {  	v0 =	vld @!p0 [tilespmem:$0x0]  }
0x316: {  	s13 =	sadd.s32 @!p0 $0xFFFFFFFF, s11;
	s14 =	sshrl.u32 @!p0 s18, $0xA  }
0x317: {  	p1 =	slt.u32 @!p0 s13, $0x10;
	s14 =	sand.u32 @!p0 $0x3F, s14  }
0x318: {  	s15 =	simm.s32 @!p0 $0x10;
	p1 =	por !p1, p0;
	s14 =	smul.u32 @!p0 $0x6, s14  }
0x319: {  	p2 =	seq.s32 @!p0 s11, $0x0;
	s16 =	smov.u32 s13;
	s15 =	simm.s32 @p1 $0x1  }
0x31a: {  	p2 =	por !p2, p0;
	s16 =	smov.u32 @p1 s12;
	s12 =	ssub.s32 @!p0 s11, s14;
	v0 =	vmul.u32 @!p0 s15, v0  }
0x31b: {  	s16 =	simm.s32 @!p2 $0x0;
	s12 =	sand.u32 @!p0 $0xFF, s12  }
0x31c: {  	s14 =	sshll.u32 @!p0 s12, $0x7;
	v0 =	vadd.s32 @!p0 s16, v0  }
0x31d: {  	[tilespmem:s14+$0x80] =	vst @!p0 v0  }
0x31e: {  	v0 =	vld @!p0 [tilespmem:$0x10];
	_ =	sdelay $0x4  }
0x31f: {  	v0 =	vmul.u32 @!p0 s15, v0;
	_ =	sdelay $0x1  }
0x320: {  	v0 =	vadd.s32 @!p0 s16, v0  }
0x321: {  	[tilespmem:s14+$0x90] =	vst @!p0 v0  }
0x322: {  	v0 =	vld @!p0 [tilespmem:$0x20];
	_ =	sdelay $0x4  }
0x323: {  	v0 =	vmul.u32 @!p0 s15, v0;
	_ =	sdelay $0x1  }
0x324: {  	v0 =	vadd.s32 @!p0 s16, v0  }
0x325: {  	[tilespmem:s14+$0xA0] =	vst @!p0 v0  }
0x326: {  	v0 =	vld @!p0 [tilespmem:$0x30];
	_ =	sdelay $0x4  }
0x327: {  	v0 =	vmul.u32 @!p0 s15, v0;
	_ =	sdelay $0x1  }
0x328: {  	v0 =	vadd.s32 @!p0 s16, v0  }
0x329: {  	[tilespmem:s14+$0xB0] =	vst @!p0 v0  }
0x32a: {  	v0 =	vld @!p0 [tilespmem:$0x40];
	_ =	sdelay $0x4  }
0x32b: {  	v0 =	vmul.u32 @!p0 s15, v0;
	_ =	sdelay $0x1  }
0x32c: {  	v0 =	vadd.s32 @!p0 s16, v0  }
0x32d: {  	[tilespmem:s14+$0xC0] =	vst @!p0 v0  }
0x32e: {  	v0 =	vld @!p0 [tilespmem:$0x50];
	_ =	sdelay $0x4  }
0x32f: {  	v0 =	vmul.u32 @!p0 s15, v0;
	_ =	sdelay $0x1  }
0x330: {  	v0 =	vadd.s32 @!p0 s16, v0  }
0x331: {  	[tilespmem:s14+$0xD0] =	vst @!p0 v0  }
0x332: {  	v0 =	vld @!p0 [tilespmem:$0x60];
	_ =	sdelay $0x4  }
0x333: {  	v0 =	vmul.u32 @!p0 s15, v0;
	_ =	sdelay $0x1  }
0x334: {  	v0 =	vadd.s32 @!p0 s16, v0  }
0x335: {  	[tilespmem:s14+$0xE0] =	vst @!p0 v0  }
0x336: {  	v0 =	vld @!p0 [tilespmem:$0x70];
	_ =	sdelay $0x2  }
0x337: {  	p1 =	sne.s32 @!p0 s11, $0x0  }
0x338: {  	p2 =	por !p1, p0  }
0x339: {  	p3 =	sgt.u32 @!p2 s13, $0xF;
	v0 =	vmul.u32 @!p0 s15, v0  }
0x33a: {  	s13 =	rddreg [dreg:$0x14];
	s11 =	sshll.u32 @!p2 s12, $0xE;
	p4 =	por @!p0 !p3, !p1  }
0x33b: {  	p3 =	por @!p0 p3, !p1;
	p4 =	por p4, p0;
	s11 =	sor.u32 @!p2 $0x480, s11;
	v0 =	vadd.s32 @!p0 s16, v0  }
0x33c: {  	s17 =	simm.s32 @!p4 $0x80;
	s15 =	sadd.s32 @!p2 $0x1, s12;
	s16 =	sadd.s32 @!p0 $0x80, s14;
	[tilespmem:s14+$0xF0] =	vst @!p0 v0  }
0x33d: {  	[tilespmem:s11], [sflag:s15] =	stream.indirect.gather @!p4 [hbm4b:s13+s17], $0x80, s16, s17, $0xb8;
	[tilespmem:$0x18480] =	vst v63  }
.Ltmp14:
0x33e: {  	p3 =	por p3, p0;
	s14 =	rddreg [dreg:$0x15];
	(pc) =	sbr.rel .LBB3_18-.Ltmp14, $4  }
0x33f: {  	p0 =	por p1, p0;
	s13 =	rddreg [dreg:$0x16];
	s17 =	simm.s32 @!p3 $0x80  }
0x340: {  	[tilespmem:s11], [sflag:s15] =	stream.indirect.gather @!p3 [hbm4b:s14+s17], $0x80, s16, s17, $0xb8;
	[tilespmem:$0x18480] =	vst v63  }
0x341: {  	s11 =	sadd.s32 @!p0 $0x1, s12;
	s12 =	simm.s32 @!p0 $0x480;
	s14 =	simm.s32 @!p0 $0x80  }
0x342: {  	[tilespmem:s12], [sflag:s11] =	stream.indirect.gather @!p0 [hbm4b:s13+s14], $0x80, s16, s14, $0xb8;
	[tilespmem:$0x18480] =	vst v63  }
.LBB3_19:
0x343: {  	_ =	sfence.sel $0x180000  }
0x344: {  	[bflag:$0x0] =	sbarrier.arrive $0xFFFF  }
0x345: {  	p0 =	sne.s32 s2, $0x0;
	_ =	strace $0x90000047  }
0x346: {  	s0 =	sadd.s32 @!p0 $0x100000, s0;
	[bflag:$0x2] =	sbarrier.arrive $0xFFFF  }
0x347: {  	[sflag:s0] =	ssyncadd.tile.s32 @!p0 $0x1;
	_ =	shalt  }
.Lfunc_end3:
_tile_overlayer_lowered:
.L_overlay_start_3:
0x348: {  	(tag) =	ssettag $0x3  }
0x349: {  	s0 =	rddreg [dreg:$0x0];
	s2 =	stileid.u32  }
0x34a: {  	s1 =	rddreg [dreg:$0x1];
	p0 =	sne.s32 s2, $0x0  }
0x34b: {  	s3 =	rddreg [dreg:$0x2];
	[bflag:$0x3] =	sbarrier.arrive $0xFFFF;
	s2 =	simm.s32 @!p0 $0x1C0D  }
0x34c: {  	[timem:s3], [sflag:s2] =	dma.local @!p0 [hbm:s0], s1  }
0x34d: {  	s0 =	simm.s32 @!p0 $0xD  }
0x34e: {  	_ =	swait.ge @!p0 [sflag:s0], s1  }
0x34f: {  	s1 =	ssub.s32 @!p0 $0x0, s1;
	[sflag:s0] =	ssyncset.done @!p0 $0x0  }
0x350: {  	[sflag:s0] =	ssyncadd.s32 @!p0 s1  }
0x351: {  	[bflag:$0x3] =	sbarrier.arrive $0xFFFF  }
0x352: {  	_ =	shalt  }

</sc_bundles>
